<compile_context>
chip_gen: v7x
topology: tpu7x:2x2x1
jax: 0.10.2.dev20260603
libtpu: 0.0.44.dev20260713+nightly
codegen_flags: <defaults>
</compile_context>

<pallas_src>
import jax
import jax.numpy as jnp
from jax import lax
from jax.experimental import pallas as pl
from jax.experimental.pallas import tpu as pltpu
from jax.experimental.pallas import tpu_sc as plsc

N = 100000
H = 128
M = 1024
K = 3

_NW = 32
_ACC = M * K
_SL = _ACC // 16


_BN = 6400
_NBA = 12
_NBB = 4
_NPA = _NBA * _BN
_NPB = _NBB * _BN
_CHA = _NPA // _NW
_CHB = _NPB // _NW
_TCTAIL = N - _NPA - (_NBB - 1) * _BN


def _make_proj_body(nb, mask_tail):
    def _proj_body(v_ref, w_ref, o_ref):
        i = pl.program_id(0)
        for k in range(K):
            yk = lax.dot_general(
                w_ref[...], v_ref[k],
                (((1,), (1,)), ((), ())),
                preferred_element_type=jnp.float32,
            )

            if not mask_tail:
                o_ref[k:k + 1, :] = yk
            else:
                @pl.when(i < nb - 1)
                def _(yk=yk, k=k):
                    o_ref[k:k + 1, :] = yk

                @pl.when(i == nb - 1)
                def _(yk=yk, k=k):
                    col = lax.broadcasted_iota(jnp.int32, (1, _BN), 1)
                    o_ref[k:k + 1, :] = jnp.where(col < _TCTAIL, yk, 0.0)

    return _proj_body


def _tc_project_part(vt, w, boff, nb, mask_tail):
    return pl.pallas_call(
        _make_proj_body(nb, mask_tail),
        grid=(nb,),
        in_specs=[
            pl.BlockSpec((K, _BN, H), lambda i: (0, i + boff, 0)),
            pl.BlockSpec((1, H), lambda i: (0, 0)),
        ],
        out_specs=pl.BlockSpec((K, _BN), lambda i: (0, i)),
        out_shape=jax.ShapeDtypeStruct((K, nb * _BN), jnp.float32),
    )(vt, w)




def _make_segsum_body(chh, nph, ids_off, full_until, partial_len, unroll):
    def _segsum_body(vals_hbm, ids_hbm, out_hbm, vals_v, ids_v, acc_v, sum_v,
                     tmp_v, shared, dsem):
        c = lax.axis_index("c")
        s = lax.axis_index("s")
        wid = c * 16 + s
        base = wid * chh

        vcopies = [
            pltpu.async_copy(vals_hbm.at[pl.ds(k * nph + base, chh)],
                             vals_v.at[pl.ds(k * chh, chh)], dsem)
            for k in range(K)
        ]

        z16i = jnp.zeros((16,), jnp.int32)

        if full_until >= _NW:
            pltpu.async_copy(ids_hbm.at[pl.ds(ids_off + base, chh)],
                             ids_v, dsem).wait()
        else:
            @pl.when(wid < full_until)
            def _():
                pltpu.async_copy(ids_hbm.at[pl.ds(ids_off + base, chh)],
                                 ids_v, dsem).wait()

            if partial_len:
                @pl.when(wid == full_until)
                def _():
                    pltpu.async_copy(
                        ids_hbm.at[pl.ds(ids_off + full_until * chh,
                                         partial_len)],
                        ids_v.at[pl.ds(0, partial_len)], dsem).wait()

                    def _zpad(j, _):
                        ids_v[pl.ds(partial_len + j * 16, 16)] = z16i
                        return 0

                    lax.fori_loop(0, (chh - partial_len) // 16, _zpad, 0)

            @pl.when(wid >= full_until + (1 if partial_len else 0))
            def _():
                def _zall(j, _):
                    ids_v[pl.ds(j * 16, 16)] = z16i
                    return 0

                lax.fori_loop(0, chh // 16, _zall, 0)

        z16 = jnp.zeros((16,), jnp.float32)
        for cp in vcopies:
            cp.wait()

        def _zero(j, _):
            acc_v[pl.ds(j * 16, 16)] = z16
            return 0

        lax.fori_loop(0, _ACC // 16, _zero, 0)

        for k in range(K):
            def _accum(g, _, k=k):
                for u in range(unroll):
                    o = g * (16 * unroll) + u * 16
                    idv = ids_v[pl.ds(o, 16)]
                    vals = vals_v[pl.ds(k * chh + o, 16)]
                    plsc.addupdate_scatter(acc_v, [idv * 3 + k], vals)
                return 0

            lax.fori_loop(0, chh // (16 * unroll), _accum, 0)

        pltpu.sync_copy(acc_v, shared.at[pl.ds(s * _ACC, _ACC)])
        plsc.subcore_barrier()

        fetches = [
            pltpu.async_copy(shared.at[pl.ds(j * _ACC + s * _SL, _SL)],
                             tmp_v.at[pl.ds(j * _SL, _SL)], dsem)
            for j in range(16)
        ]
        for cp in fetches:
            cp.wait()

        def _add(t, _):
            def _add1(j, x):
                return x + tmp_v[pl.ds(j * _SL + t * 16, 16)]

            sum_v[pl.ds(t * 16, 16)] = lax.fori_loop(
                0, 16, _add1, jnp.zeros((16,), jnp.float32))
            return 0

        lax.fori_loop(0, _SL // 16, _add, 0)

        pltpu.sync_copy(sum_v, out_hbm.at[pl.ds(c * _ACC + s * _SL, _SL)])

    return _segsum_body


def _sc_segsum(vals_flat, ids, chh, ids_off, full_until, partial_len):
    unroll = next(u for u in (4, 3, 2, 1) if chh % (16 * u) == 0)
    f = pl.kernel(
        _make_segsum_body(chh, chh * _NW, ids_off, full_until, partial_len,
                          unroll),
        mesh=plsc.VectorSubcoreMesh(core_axis_name="c", subcore_axis_name="s"),
        out_type=jax.ShapeDtypeStruct((2 * _ACC,), jnp.float32),
        compiler_params=pltpu.CompilerParams(needs_layout_passes=False),
        scratch_types=[
            pltpu.VMEM((K * chh,), jnp.float32),
            pltpu.VMEM((chh,), jnp.int32),
            pltpu.VMEM((_ACC,), jnp.float32),
            pltpu.VMEM((_SL,), jnp.float32),
            pltpu.VMEM((16 * _SL,), jnp.float32),
            pltpu.VMEM_SHARED((16 * _ACC,), jnp.float32),
            pltpu.SemaphoreType.DMA,
        ],
    )
    return f(vals_flat, ids)


def kernel(v, batch, W):
    vt = jnp.transpose(v, (2, 0, 1))
    ids = batch.astype(jnp.int32)

    mu_a = _tc_project_part(vt, W, 0, _NBA, False)
    out_a = _sc_segsum(mu_a.reshape(-1), ids, _CHA, 0, _NW, 0)

    mu_b = _tc_project_part(vt, W, _NBA, _NBB, True)
    out_b = _sc_segsum(mu_b.reshape(-1), ids, _CHB, _NPA, 29, 0)

    tot = (out_a.reshape(2, _ACC) + out_b.reshape(2, _ACC)).sum(0)
    return tot.reshape(M, K)

# --- scband reference (transcript-rebuilt; emitter-appended) ---
"""Pipeline reference for scband-dipole-head-27736898798128 (READ-ONLY COPY).

The authoritative reference and input builder live on the scoring server;
editing this copy changes nothing except your own understanding.
"""

import jax, jax.numpy as jnp
import numpy as np

N = 100000
H = 128
M = 1024

def setup_inputs(seed: int = 0) -> dict:
    key = jax.random.key(seed)
    k1, k2, k3 = jax.random.split(key, 3)
    v = jax.random.normal(k1, (N, H, 3), dtype=jnp.float32)
    batch = jnp.sort(jax.random.randint(k2, (N,), 0, M, dtype=jnp.int64))
    W = jax.random.normal(k3, (1, H), dtype=jnp.float32) * 0.05
    return {"v": v, "batch": batch, "W": W}

def reference(v, batch, W):
    # weights = self.linear.weight.squeeze(0)
    w = jnp.squeeze(W, axis=0)
    # mu_atom = einsum('nfk,f->nk', v, weights)
    mu_atom = jnp.einsum('nfk,f->nk', v, w)
    # mu = scatter_sum(mu_atom, batch, dim=0)
    mu = jax.ops.segment_sum(mu_atom, batch, num_segments=M)
    return mu

if __name__ == "__main__":
    import jax
    _d = setup_inputs()
    print(jax.jit(kernel)(*tuple(_d.values())))

</pallas_src>

<mosaic_0001>
#map = affine_map<(d0, d1) -> (0)>
module attributes {stable_mosaic.version = 14 : i64} {
  func.func @_segsum_body(%arg0: i32, %arg1: i32, %arg2: memref<230400xf32, #tpu.memory_space<hbm>>, %arg3: memref<100000xi32, #tpu.memory_space<hbm>>, %arg4: memref<6144xf32, #tpu.memory_space<hbm>>, %arg5: memref<7200xf32, #tpu.memory_space<vmem>>, %arg6: memref<2400xi32, #tpu.memory_space<vmem>>, %arg7: memref<3072xf32, #tpu.memory_space<vmem>>, %arg8: memref<192xf32, #tpu.memory_space<vmem>>, %arg9: memref<3072xf32, #tpu.memory_space<vmem>>, %arg10: memref<49152xf32, #tpu.memory_space<vmem_shared>>, %arg11: memref<!tpu.dma_semaphore, #tpu.memory_space<semaphore_mem>>) attributes {dimension_semantics = [#tpu.dimension_semantics<core_parallel>, #tpu.dimension_semantics<subcore_parallel>], iteration_bounds = array<i64: 2, 16>, scalar_prefetch = 0 : i64, scratch_operands = 7 : i64, tpu.core_type = #tpu.core_type<sc_vector_subcore>, window_params = [{transform_indices = #map}, {transform_indices = #map}, {transform_indices = #map}]} {
    %mul3A = arith.constant 16 : i32
    %mul3A_0 = arith.muli %arg0, %mul3A : i32
    %add3A = arith.addi %mul3A_0, %arg1 : i32
    %mul3A_1 = arith.constant 2400 : i32
    %mul3A_2 = arith.muli %add3A, %mul3A_1 : i32
    %add3A_3 = arith.constant 0 : i32
    %add3A_4 = arith.addi %add3A_3, %mul3A_2 : i32
    %dma_start3A = arith.constant 0 : i32
    %dma_start3A_5 = tpu.memref_slice %arg5[%dma_start3A] : memref<7200xf32, #tpu.memory_space<vmem>> -> memref<2400xf32, #tpu.memory_space<vmem>>
    %dma_start3A_6 = tpu.memref_slice %arg2[%add3A_4] : memref<230400xf32, #tpu.memory_space<hbm>> -> memref<2400xf32, #tpu.memory_space<hbm>>
    %dma_start3A_7 = arith.constant 0 : i32
    %dma_start3A_8 = tpu.memref_slice %arg5[%dma_start3A_7] : memref<7200xf32, #tpu.memory_space<vmem>> -> memref<2400xf32, #tpu.memory_space<vmem>>
    %dma_start3A_9 = tpu.memref_slice %arg2[%add3A_4] : memref<230400xf32, #tpu.memory_space<hbm>> -> memref<2400xf32, #tpu.memory_space<hbm>>
    tpu.enqueue_dma source(%dma_start3A_9 : memref<2400xf32, #tpu.memory_space<hbm>>) target(%dma_start3A_8 : memref<2400xf32, #tpu.memory_space<vmem>>) target_semaphore(%arg11 : memref<!tpu.dma_semaphore, #tpu.memory_space<semaphore_mem>>)
    %add3A_10 = arith.constant 76800 : i32
    %add3A_11 = arith.addi %add3A_10, %mul3A_2 : i32
    %dma_start3A_12 = arith.constant 2400 : i32
    %dma_start3A_13 = tpu.memref_slice %arg5[%dma_start3A_12] : memref<7200xf32, #tpu.memory_space<vmem>> -> memref<2400xf32, #tpu.memory_space<vmem>>
    %dma_start3A_14 = tpu.memref_slice %arg2[%add3A_11] : memref<230400xf32, #tpu.memory_space<hbm>> -> memref<2400xf32, #tpu.memory_space<hbm>>
    %dma_start3A_15 = arith.constant 2400 : i32
    %dma_start3A_16 = tpu.memref_slice %arg5[%dma_start3A_15] : memref<7200xf32, #tpu.memory_space<vmem>> -> memref<2400xf32, #tpu.memory_space<vmem>>
    %dma_start3A_17 = tpu.memref_slice %arg2[%add3A_11] : memref<230400xf32, #tpu.memory_space<hbm>> -> memref<2400xf32, #tpu.memory_space<hbm>>
    tpu.enqueue_dma source(%dma_start3A_17 : memref<2400xf32, #tpu.memory_space<hbm>>) target(%dma_start3A_16 : memref<2400xf32, #tpu.memory_space<vmem>>) target_semaphore(%arg11 : memref<!tpu.dma_semaphore, #tpu.memory_space<semaphore_mem>>)
    %add3A_18 = arith.constant 153600 : i32
    %add3A_19 = arith.addi %add3A_18, %mul3A_2 : i32
    %dma_start3A_20 = arith.constant 4800 : i32
    %dma_start3A_21 = tpu.memref_slice %arg5[%dma_start3A_20] : memref<7200xf32, #tpu.memory_space<vmem>> -> memref<2400xf32, #tpu.memory_space<vmem>>
    %dma_start3A_22 = tpu.memref_slice %arg2[%add3A_19] : memref<230400xf32, #tpu.memory_space<hbm>> -> memref<2400xf32, #tpu.memory_space<hbm>>
    %dma_start3A_23 = arith.constant 4800 : i32
    %dma_start3A_24 = tpu.memref_slice %arg5[%dma_start3A_23] : memref<7200xf32, #tpu.memory_space<vmem>> -> memref<2400xf32, #tpu.memory_space<vmem>>
    %dma_start3A_25 = tpu.memref_slice %arg2[%add3A_19] : memref<230400xf32, #tpu.memory_space<hbm>> -> memref<2400xf32, #tpu.memory_space<hbm>>
    tpu.enqueue_dma source(%dma_start3A_25 : memref<2400xf32, #tpu.memory_space<hbm>>) target(%dma_start3A_24 : memref<2400xf32, #tpu.memory_space<vmem>>) target_semaphore(%arg11 : memref<!tpu.dma_semaphore, #tpu.memory_space<semaphore_mem>>)
    %broadcast_in_dim3A = arith.constant 0 : i32
    %broadcast_in_dim3A_26 = vector.broadcast %broadcast_in_dim3A : i32 to vector<16xi32>
    %add3A_27 = arith.constant 0 : i32
    %add3A_28 = arith.addi %add3A_27, %mul3A_2 : i32
    %dma_start3A_29 = tpu.memref_slice %arg3[%add3A_28] : memref<100000xi32, #tpu.memory_space<hbm>> -> memref<2400xi32, #tpu.memory_space<hbm>>
    %dma_start3A_30 = tpu.memref_slice %arg3[%add3A_28] : memref<100000xi32, #tpu.memory_space<hbm>> -> memref<2400xi32, #tpu.memory_space<hbm>>
    tpu.enqueue_dma source(%dma_start3A_30 : memref<2400xi32, #tpu.memory_space<hbm>>) target(%arg6 : memref<2400xi32, #tpu.memory_space<vmem>>) target_semaphore(%arg11 : memref<!tpu.dma_semaphore, #tpu.memory_space<semaphore_mem>>)
    %dma_wait3A = tpu.memref_slice %arg3[%add3A_28] : memref<100000xi32, #tpu.memory_space<hbm>> -> memref<2400xi32, #tpu.memory_space<hbm>>
    %dma_wait3A_31 = tpu.memref_slice %arg3[%add3A_28] : memref<100000xi32, #tpu.memory_space<hbm>> -> memref<2400xi32, #tpu.memory_space<hbm>>
    tpu.wait_dma2 semaphore(%arg11 : memref<!tpu.dma_semaphore, #tpu.memory_space<semaphore_mem>>) src(%dma_wait3A_31 : memref<2400xi32, #tpu.memory_space<hbm>>) dst(%arg6 : memref<2400xi32, #tpu.memory_space<vmem>>)
    %broadcast_in_dim3A_32 = arith.constant 0.000000e+00 : f32
    %broadcast_in_dim3A_33 = vector.broadcast %broadcast_in_dim3A_32 : f32 to vector<16xf32>
    %dma_wait3A_34 = arith.constant 0 : i32
    %dma_wait3A_35 = tpu.memref_slice %arg5[%dma_wait3A_34] : memref<7200xf32, #tpu.memory_space<vmem>> -> memref<2400xf32, #tpu.memory_space<vmem>>
    %dma_wait3A_36 = tpu.memref_slice %arg2[%add3A_4] : memref<230400xf32, #tpu.memory_space<hbm>> -> memref<2400xf32, #tpu.memory_space<hbm>>
    %dma_wait3A_37 = arith.constant 0 : i32
    %dma_wait3A_38 = tpu.memref_slice %arg5[%dma_wait3A_37] : memref<7200xf32, #tpu.memory_space<vmem>> -> memref<2400xf32, #tpu.memory_space<vmem>>
    %dma_wait3A_39 = tpu.memref_slice %arg2[%add3A_4] : memref<230400xf32, #tpu.memory_space<hbm>> -> memref<2400xf32, #tpu.memory_space<hbm>>
    tpu.wait_dma2 semaphore(%arg11 : memref<!tpu.dma_semaphore, #tpu.memory_space<semaphore_mem>>) src(%dma_wait3A_39 : memref<2400xf32, #tpu.memory_space<hbm>>) dst(%dma_wait3A_38 : memref<2400xf32, #tpu.memory_space<vmem>>)
    %dma_wait3A_40 = arith.constant 2400 : i32
    %dma_wait3A_41 = tpu.memref_slice %arg5[%dma_wait3A_40] : memref<7200xf32, #tpu.memory_space<vmem>> -> memref<2400xf32, #tpu.memory_space<vmem>>
    %dma_wait3A_42 = tpu.memref_slice %arg2[%add3A_11] : memref<230400xf32, #tpu.memory_space<hbm>> -> memref<2400xf32, #tpu.memory_space<hbm>>
    %dma_wait3A_43 = arith.constant 2400 : i32
    %dma_wait3A_44 = tpu.memref_slice %arg5[%dma_wait3A_43] : memref<7200xf32, #tpu.memory_space<vmem>> -> memref<2400xf32, #tpu.memory_space<vmem>>
    %dma_wait3A_45 = tpu.memref_slice %arg2[%add3A_11] : memref<230400xf32, #tpu.memory_space<hbm>> -> memref<2400xf32, #tpu.memory_space<hbm>>
    tpu.wait_dma2 semaphore(%arg11 : memref<!tpu.dma_semaphore, #tpu.memory_space<semaphore_mem>>) src(%dma_wait3A_45 : memref<2400xf32, #tpu.memory_space<hbm>>) dst(%dma_wait3A_44 : memref<2400xf32, #tpu.memory_space<vmem>>)
    %dma_wait3A_46 = arith.constant 4800 : i32
    %dma_wait3A_47 = tpu.memref_slice %arg5[%dma_wait3A_46] : memref<7200xf32, #tpu.memory_space<vmem>> -> memref<2400xf32, #tpu.memory_space<vmem>>
    %dma_wait3A_48 = tpu.memref_slice %arg2[%add3A_19] : memref<230400xf32, #tpu.memory_space<hbm>> -> memref<2400xf32, #tpu.memory_space<hbm>>
    %dma_wait3A_49 = arith.constant 4800 : i32
    %dma_wait3A_50 = tpu.memref_slice %arg5[%dma_wait3A_49] : memref<7200xf32, #tpu.memory_space<vmem>> -> memref<2400xf32, #tpu.memory_space<vmem>>
    %dma_wait3A_51 = tpu.memref_slice %arg2[%add3A_19] : memref<230400xf32, #tpu.memory_space<hbm>> -> memref<2400xf32, #tpu.memory_space<hbm>>
    tpu.wait_dma2 semaphore(%arg11 : memref<!tpu.dma_semaphore, #tpu.memory_space<semaphore_mem>>) src(%dma_wait3A_51 : memref<2400xf32, #tpu.memory_space<hbm>>) dst(%dma_wait3A_50 : memref<2400xf32, #tpu.memory_space<vmem>>)
    %scan3A = arith.constant 0 : i32
    %scan3A_52 = arith.constant 0 : i32
    %scan3A_53 = arith.constant 192 : i32
    %scan3A_54 = arith.addi %scan3A_52, %scan3A_53 : i32
    %scan3A_55 = arith.constant 1 : i32
    %scan3A_56 = scf.for %scan3A_349 = %scan3A_52 to %scan3A_54 step %scan3A_55 iter_args(%scan3A_350 = %scan3A) -> (i32)  : i32 {
      %mul3A_351 = arith.constant 16 : i32
      %mul3A_352 = arith.muli %scan3A_349, %mul3A_351 : i32
      %swap3A = arith.index_cast %mul3A_352 : i32 to index
      %swap3A_353 = tpu.vector_load %arg7[%swap3A] {strides = array<i32>} : memref<3072xf32, #tpu.memory_space<vmem>>, vector<16xf32>,
      tpu.vector_store %arg7[%swap3A], %broadcast_in_dim3A_33 {strides = array<i32>} : memref<3072xf32, #tpu.memory_space<vmem>>, vector<16xf32>,
      %scan3A_354 = arith.constant 0 : i32
      scf.yield %scan3A_354 : i32
    }
    %scan3A_57 = arith.constant 192 : i32
    %scan3A_58 = arith.constant 0 : i32
    %scan3A_59 = arith.constant 0 : i32
    %scan3A_60 = arith.constant 50 : i32
    %scan3A_61 = arith.addi %scan3A_59, %scan3A_60 : i32
    %scan3A_62 = arith.constant 1 : i32
    %scan3A_63 = scf.for %scan3A_349 = %scan3A_59 to %scan3A_61 step %scan3A_62 iter_args(%scan3A_350 = %scan3A_58) -> (i32)  : i32 {
      %mul3A_351 = arith.constant 48 : i32
      %mul3A_352 = arith.muli %scan3A_349, %mul3A_351 : i32
      %add3A_353 = arith.constant 0 : i32
      %add3A_354 = arith.addi %mul3A_352, %add3A_353 : i32
      %get3A = arith.index_cast %add3A_354 : i32 to index
      %get3A_355 = tpu.vector_load %arg6[%get3A] {strides = array<i32>} : memref<2400xi32, #tpu.memory_space<vmem>>, vector<16xi32>,
      %add3A_356 = arith.constant 0 : i32
      %add3A_357 = arith.addi %add3A_356, %add3A_354 : i32
      %get3A_358 = arith.index_cast %add3A_357 : i32 to index
      %get3A_359 = tpu.vector_load %arg5[%get3A_358] {strides = array<i32>} : memref<7200xf32, #tpu.memory_space<vmem>>, vector<16xf32>,
      %mul3A_360 = arith.constant 3 : i32
      %mul3A_361 = vector.broadcast %mul3A_360 : i32 to vector<16xi32>
      %mul3A_362 = arith.muli %get3A_355, %mul3A_361 : vector<16xi32>
      %add3A_363 = arith.constant 0 : i32
      %add3A_364 = vector.broadcast %add3A_363 : i32 to vector<16xi32>
      %add3A_365 = arith.addi %mul3A_362, %add3A_364 : vector<16xi32>
      tpu.vector_store_idx %arg7[%add3A_365], %get3A_359 {add = true} : memref<3072xf32, #tpu.memory_space<vmem>>[vector<16xi32>], vector<16xf32>,
      %mul3A_366 = arith.constant 48 : i32
      %mul3A_367 = arith.muli %scan3A_349, %mul3A_366 : i32
      %add3A_368 = arith.constant 16 : i32
      %add3A_369 = arith.addi %mul3A_367, %add3A_368 : i32
      %get3A_370 = arith.index_cast %add3A_369 : i32 to index
      %get3A_371 = tpu.vector_load %arg6[%get3A_370] {strides = array<i32>} : memref<2400xi32, #tpu.memory_space<vmem>>, vector<16xi32>,
      %add3A_372 = arith.constant 0 : i32
      %add3A_373 = arith.addi %add3A_372, %add3A_369 : i32
      %get3A_374 = arith.index_cast %add3A_373 : i32 to index
      %get3A_375 = tpu.vector_load %arg5[%get3A_374] {strides = array<i32>} : memref<7200xf32, #tpu.memory_space<vmem>>, vector<16xf32>,
      %mul3A_376 = arith.constant 3 : i32
      %mul3A_377 = vector.broadcast %mul3A_376 : i32 to vector<16xi32>
      %mul3A_378 = arith.muli %get3A_371, %mul3A_377 : vector<16xi32>
      %add3A_379 = arith.constant 0 : i32
      %add3A_380 = vector.broadcast %add3A_379 : i32 to vector<16xi32>
      %add3A_381 = arith.addi %mul3A_378, %add3A_380 : vector<16xi32>
      tpu.vector_store_idx %arg7[%add3A_381], %get3A_375 {add = true} : memref<3072xf32, #tpu.memory_space<vmem>>[vector<16xi32>], vector<16xf32>,
      %mul3A_382 = arith.constant 48 : i32
      %mul3A_383 = arith.muli %scan3A_349, %mul3A_382 : i32
      %add3A_384 = arith.constant 32 : i32
      %add3A_385 = arith.addi %mul3A_383, %add3A_384 : i32
      %get3A_386 = arith.index_cast %add3A_385 : i32 to index
      %get3A_387 = tpu.vector_load %arg6[%get3A_386] {strides = array<i32>} : memref<2400xi32, #tpu.memory_space<vmem>>, vector<16xi32>,
      %add3A_388 = arith.constant 0 : i32
      %add3A_389 = arith.addi %add3A_388, %add3A_385 : i32
      %get3A_390 = arith.index_cast %add3A_389 : i32 to index
      %get3A_391 = tpu.vector_load %arg5[%get3A_390] {strides = array<i32>} : memref<7200xf32, #tpu.memory_space<vmem>>, vector<16xf32>,
      %mul3A_392 = arith.constant 3 : i32
      %mul3A_393 = vector.broadcast %mul3A_392 : i32 to vector<16xi32>
      %mul3A_394 = arith.muli %get3A_387, %mul3A_393 : vector<16xi32>
      %add3A_395 = arith.constant 0 : i32
      %add3A_396 = vector.broadcast %add3A_395 : i32 to vector<16xi32>
      %add3A_397 = arith.addi %mul3A_394, %add3A_396 : vector<16xi32>
      tpu.vector_store_idx %arg7[%add3A_397], %get3A_391 {add = true} : memref<3072xf32, #tpu.memory_space<vmem>>[vector<16xi32>], vector<16xf32>,
      %scan3A_398 = arith.constant 0 : i32
      scf.yield %scan3A_398 : i32
    }
    %scan3A_64 = arith.constant 50 : i32
    %scan3A_65 = arith.constant 0 : i32
    %scan3A_66 = arith.constant 0 : i32
    %scan3A_67 = arith.constant 50 : i32
    %scan3A_68 = arith.addi %scan3A_66, %scan3A_67 : i32
    %scan3A_69 = arith.constant 1 : i32
    %scan3A_70 = scf.for %scan3A_349 = %scan3A_66 to %scan3A_68 step %scan3A_69 iter_args(%scan3A_350 = %scan3A_65) -> (i32)  : i32 {
      %mul3A_351 = arith.constant 48 : i32
      %mul3A_352 = arith.muli %scan3A_349, %mul3A_351 : i32
      %add3A_353 = arith.constant 0 : i32
      %add3A_354 = arith.addi %mul3A_352, %add3A_353 : i32
      %get3A = arith.index_cast %add3A_354 : i32 to index
      %get3A_355 = tpu.vector_load %arg6[%get3A] {strides = array<i32>} : memref<2400xi32, #tpu.memory_space<vmem>>, vector<16xi32>,
      %add3A_356 = arith.constant 2400 : i32
      %add3A_357 = arith.addi %add3A_356, %add3A_354 : i32
      %get3A_358 = arith.index_cast %add3A_357 : i32 to index
      %get3A_359 = tpu.vector_load %arg5[%get3A_358] {strides = array<i32>} : memref<7200xf32, #tpu.memory_space<vmem>>, vector<16xf32>,
      %mul3A_360 = arith.constant 3 : i32
      %mul3A_361 = vector.broadcast %mul3A_360 : i32 to vector<16xi32>
      %mul3A_362 = arith.muli %get3A_355, %mul3A_361 : vector<16xi32>
      %add3A_363 = arith.constant 1 : i32
      %add3A_364 = vector.broadcast %add3A_363 : i32 to vector<16xi32>
      %add3A_365 = arith.addi %mul3A_362, %add3A_364 : vector<16xi32>
      tpu.vector_store_idx %arg7[%add3A_365], %get3A_359 {add = true} : memref<3072xf32, #tpu.memory_space<vmem>>[vector<16xi32>], vector<16xf32>,
      %mul3A_366 = arith.constant 48 : i32
      %mul3A_367 = arith.muli %scan3A_349, %mul3A_366 : i32
      %add3A_368 = arith.constant 16 : i32
      %add3A_369 = arith.addi %mul3A_367, %add3A_368 : i32
      %get3A_370 = arith.index_cast %add3A_369 : i32 to index
      %get3A_371 = tpu.vector_load %arg6[%get3A_370] {strides = array<i32>} : memref<2400xi32, #tpu.memory_space<vmem>>, vector<16xi32>,
      %add3A_372 = arith.constant 2400 : i32
      %add3A_373 = arith.addi %add3A_372, %add3A_369 : i32
      %get3A_374 = arith.index_cast %add3A_373 : i32 to index
      %get3A_375 = tpu.vector_load %arg5[%get3A_374] {strides = array<i32>} : memref<7200xf32, #tpu.memory_space<vmem>>, vector<16xf32>,
      %mul3A_376 = arith.constant 3 : i32
      %mul3A_377 = vector.broadcast %mul3A_376 : i32 to vector<16xi32>
      %mul3A_378 = arith.muli %get3A_371, %mul3A_377 : vector<16xi32>
      %add3A_379 = arith.constant 1 : i32
      %add3A_380 = vector.broadcast %add3A_379 : i32 to vector<16xi32>
      %add3A_381 = arith.addi %mul3A_378, %add3A_380 : vector<16xi32>
      tpu.vector_store_idx %arg7[%add3A_381], %get3A_375 {add = true} : memref<3072xf32, #tpu.memory_space<vmem>>[vector<16xi32>], vector<16xf32>,
      %mul3A_382 = arith.constant 48 : i32
      %mul3A_383 = arith.muli %scan3A_349, %mul3A_382 : i32
      %add3A_384 = arith.constant 32 : i32
      %add3A_385 = arith.addi %mul3A_383, %add3A_384 : i32
      %get3A_386 = arith.index_cast %add3A_385 : i32 to index
      %get3A_387 = tpu.vector_load %arg6[%get3A_386] {strides = array<i32>} : memref<2400xi32, #tpu.memory_space<vmem>>, vector<16xi32>,
      %add3A_388 = arith.constant 2400 : i32
      %add3A_389 = arith.addi %add3A_388, %add3A_385 : i32
      %get3A_390 = arith.index_cast %add3A_389 : i32 to index
      %get3A_391 = tpu.vector_load %arg5[%get3A_390] {strides = array<i32>} : memref<7200xf32, #tpu.memory_space<vmem>>, vector<16xf32>,
      %mul3A_392 = arith.constant 3 : i32
      %mul3A_393 = vector.broadcast %mul3A_392 : i32 to vector<16xi32>
      %mul3A_394 = arith.muli %get3A_387, %mul3A_393 : vector<16xi32>
      %add3A_395 = arith.constant 1 : i32
      %add3A_396 = vector.broadcast %add3A_395 : i32 to vector<16xi32>
      %add3A_397 = arith.addi %mul3A_394, %add3A_396 : vector<16xi32>
      tpu.vector_store_idx %arg7[%add3A_397], %get3A_391 {add = true} : memref<3072xf32, #tpu.memory_space<vmem>>[vector<16xi32>], vector<16xf32>,
      %scan3A_398 = arith.constant 0 : i32
      scf.yield %scan3A_398 : i32
    }
    %scan3A_71 = arith.constant 50 : i32
    %scan3A_72 = arith.constant 0 : i32
    %scan3A_73 = arith.constant 0 : i32
    %scan3A_74 = arith.constant 50 : i32
    %scan3A_75 = arith.addi %scan3A_73, %scan3A_74 : i32
    %scan3A_76 = arith.constant 1 : i32
    %scan3A_77 = scf.for %scan3A_349 = %scan3A_73 to %scan3A_75 step %scan3A_76 iter_args(%scan3A_350 = %scan3A_72) -> (i32)  : i32 {
      %mul3A_351 = arith.constant 48 : i32
      %mul3A_352 = arith.muli %scan3A_349, %mul3A_351 : i32
      %add3A_353 = arith.constant 0 : i32
      %add3A_354 = arith.addi %mul3A_352, %add3A_353 : i32
      %get3A = arith.index_cast %add3A_354 : i32 to index
      %get3A_355 = tpu.vector_load %arg6[%get3A] {strides = array<i32>} : memref<2400xi32, #tpu.memory_space<vmem>>, vector<16xi32>,
      %add3A_356 = arith.constant 4800 : i32
      %add3A_357 = arith.addi %add3A_356, %add3A_354 : i32
      %get3A_358 = arith.index_cast %add3A_357 : i32 to index
      %get3A_359 = tpu.vector_load %arg5[%get3A_358] {strides = array<i32>} : memref<7200xf32, #tpu.memory_space<vmem>>, vector<16xf32>,
      %mul3A_360 = arith.constant 3 : i32
      %mul3A_361 = vector.broadcast %mul3A_360 : i32 to vector<16xi32>
      %mul3A_362 = arith.muli %get3A_355, %mul3A_361 : vector<16xi32>
      %add3A_363 = arith.constant 2 : i32
      %add3A_364 = vector.broadcast %add3A_363 : i32 to vector<16xi32>
      %add3A_365 = arith.addi %mul3A_362, %add3A_364 : vector<16xi32>
      tpu.vector_store_idx %arg7[%add3A_365], %get3A_359 {add = true} : memref<3072xf32, #tpu.memory_space<vmem>>[vector<16xi32>], vector<16xf32>,
      %mul3A_366 = arith.constant 48 : i32
      %mul3A_367 = arith.muli %scan3A_349, %mul3A_366 : i32
      %add3A_368 = arith.constant 16 : i32
      %add3A_369 = arith.addi %mul3A_367, %add3A_368 : i32
      %get3A_370 = arith.index_cast %add3A_369 : i32 to index
      %get3A_371 = tpu.vector_load %arg6[%get3A_370] {strides = array<i32>} : memref<2400xi32, #tpu.memory_space<vmem>>, vector<16xi32>,
      %add3A_372 = arith.constant 4800 : i32
      %add3A_373 = arith.addi %add3A_372, %add3A_369 : i32
      %get3A_374 = arith.index_cast %add3A_373 : i32 to index
      %get3A_375 = tpu.vector_load %arg5[%get3A_374] {strides = array<i32>} : memref<7200xf32, #tpu.memory_space<vmem>>, vector<16xf32>,
      %mul3A_376 = arith.constant 3 : i32
      %mul3A_377 = vector.broadcast %mul3A_376 : i32 to vector<16xi32>
      %mul3A_378 = arith.muli %get3A_371, %mul3A_377 : vector<16xi32>
      %add3A_379 = arith.constant 2 : i32
      %add3A_380 = vector.broadcast %add3A_379 : i32 to vector<16xi32>
      %add3A_381 = arith.addi %mul3A_378, %add3A_380 : vector<16xi32>
      tpu.vector_store_idx %arg7[%add3A_381], %get3A_375 {add = true} : memref<3072xf32, #tpu.memory_space<vmem>>[vector<16xi32>], vector<16xf32>,
      %mul3A_382 = arith.constant 48 : i32
      %mul3A_383 = arith.muli %scan3A_349, %mul3A_382 : i32
      %add3A_384 = arith.constant 32 : i32
      %add3A_385 = arith.addi %mul3A_383, %add3A_384 : i32
      %get3A_386 = arith.index_cast %add3A_385 : i32 to index
      %get3A_387 = tpu.vector_load %arg6[%get3A_386] {strides = array<i32>} : memref<2400xi32, #tpu.memory_space<vmem>>, vector<16xi32>,
      %add3A_388 = arith.constant 4800 : i32
      %add3A_389 = arith.addi %add3A_388, %add3A_385 : i32
      %get3A_390 = arith.index_cast %add3A_389 : i32 to index
      %get3A_391 = tpu.vector_load %arg5[%get3A_390] {strides = array<i32>} : memref<7200xf32, #tpu.memory_space<vmem>>, vector<16xf32>,
      %mul3A_392 = arith.constant 3 : i32
      %mul3A_393 = vector.broadcast %mul3A_392 : i32 to vector<16xi32>
      %mul3A_394 = arith.muli %get3A_387, %mul3A_393 : vector<16xi32>
      %add3A_395 = arith.constant 2 : i32
      %add3A_396 = vector.broadcast %add3A_395 : i32 to vector<16xi32>
      %add3A_397 = arith.addi %mul3A_394, %add3A_396 : vector<16xi32>
      tpu.vector_store_idx %arg7[%add3A_397], %get3A_391 {add = true} : memref<3072xf32, #tpu.memory_space<vmem>>[vector<16xi32>], vector<16xf32>,
      %scan3A_398 = arith.constant 0 : i32
      scf.yield %scan3A_398 : i32
    }
    %scan3A_78 = arith.constant 50 : i32
    %mul3A_79 = arith.constant 3072 : i32
    %mul3A_80 = arith.muli %arg1, %mul3A_79 : i32
    "tpu.region"() ({
      %run_scoped3A = tpu.sem_alloc : memref<!tpu.dma_semaphore, #tpu.memory_space<semaphore_mem>>
      %dma_start3A_349 = tpu.memref_slice %arg10[%mul3A_80] : memref<49152xf32, #tpu.memory_space<vmem_shared>> -> memref<3072xf32, #tpu.memory_space<vmem_shared>>
      %dma_start3A_350 = tpu.memref_slice %arg10[%mul3A_80] : memref<49152xf32, #tpu.memory_space<vmem_shared>> -> memref<3072xf32, #tpu.memory_space<vmem_shared>>
      tpu.enqueue_dma source(%arg7 : memref<3072xf32, #tpu.memory_space<vmem>>) target(%dma_start3A_350 : memref<3072xf32, #tpu.memory_space<vmem_shared>>) target_semaphore(%run_scoped3A : memref<!tpu.dma_semaphore, #tpu.memory_space<semaphore_mem>>)
      %dma_wait3A_351 = tpu.memref_slice %arg10[%mul3A_80] : memref<49152xf32, #tpu.memory_space<vmem_shared>> -> memref<3072xf32, #tpu.memory_space<vmem_shared>>
      %dma_wait3A_352 = tpu.memref_slice %arg10[%mul3A_80] : memref<49152xf32, #tpu.memory_space<vmem_shared>> -> memref<3072xf32, #tpu.memory_space<vmem_shared>>
      tpu.wait_dma2 semaphore(%run_scoped3A : memref<!tpu.dma_semaphore, #tpu.memory_space<semaphore_mem>>) src(%arg7 : memref<3072xf32, #tpu.memory_space<vmem>>) dst(%dma_wait3A_352 : memref<3072xf32, #tpu.memory_space<vmem_shared>>)
      tpu.yield
    }) : () -> ()
    %barrier3A = arith.constant 0 : index
    tpu.barrier barrier_id(%barrier3A)
    %mul3A_81 = arith.constant 192 : i32
    %mul3A_82 = arith.muli %arg1, %mul3A_81 : i32
    %add3A_83 = arith.constant 0 : i32
    %add3A_84 = arith.addi %add3A_83, %mul3A_82 : i32
    %dma_start3A_85 = arith.constant 0 : i32
    %dma_start3A_86 = tpu.memref_slice %arg9[%dma_start3A_85] : memref<3072xf32, #tpu.memory_space<vmem>> -> memref<192xf32, #tpu.memory_space<vmem>>
    %dma_start3A_87 = tpu.memref_slice %arg10[%add3A_84] : memref<49152xf32, #tpu.memory_space<vmem_shared>> -> memref<192xf32, #tpu.memory_space<vmem_shared>>
    %dma_start3A_88 = arith.constant 0 : i32
    %dma_start3A_89 = tpu.memref_slice %arg9[%dma_start3A_88] : memref<3072xf32, #tpu.memory_space<vmem>> -> memref<192xf32, #tpu.memory_space<vmem>>
    %dma_start3A_90 = tpu.memref_slice %arg10[%add3A_84] : memref<49152xf32, #tpu.memory_space<vmem_shared>> -> memref<192xf32, #tpu.memory_space<vmem_shared>>
    tpu.enqueue_dma source(%dma_start3A_90 : memref<192xf32, #tpu.memory_space<vmem_shared>>) target(%dma_start3A_89 : memref<192xf32, #tpu.memory_space<vmem>>) target_semaphore(%arg11 : memref<!tpu.dma_semaphore, #tpu.memory_space<semaphore_mem>>)
    %mul3A_91 = arith.constant 192 : i32
    %mul3A_92 = arith.muli %arg1, %mul3A_91 : i32
    %add3A_93 = arith.constant 3072 : i32
    %add3A_94 = arith.addi %add3A_93, %mul3A_92 : i32
    %dma_start3A_95 = arith.constant 192 : i32
    %dma_start3A_96 = tpu.memref_slice %arg9[%dma_start3A_95] : memref<3072xf32, #tpu.memory_space<vmem>> -> memref<192xf32, #tpu.memory_space<vmem>>
    %dma_start3A_97 = tpu.memref_slice %arg10[%add3A_94] : memref<49152xf32, #tpu.memory_space<vmem_shared>> -> memref<192xf32, #tpu.memory_space<vmem_shared>>
    %dma_start3A_98 = arith.constant 192 : i32
    %dma_start3A_99 = tpu.memref_slice %arg9[%dma_start3A_98] : memref<3072xf32, #tpu.memory_space<vmem>> -> memref<192xf32, #tpu.memory_space<vmem>>
    %dma_start3A_100 = tpu.memref_slice %arg10[%add3A_94] : memref<49152xf32, #tpu.memory_space<vmem_shared>> -> memref<192xf32, #tpu.memory_space<vmem_shared>>
    tpu.enqueue_dma source(%dma_start3A_100 : memref<192xf32, #tpu.memory_space<vmem_shared>>) target(%dma_start3A_99 : memref<192xf32, #tpu.memory_space<vmem>>) target_semaphore(%arg11 : memref<!tpu.dma_semaphore, #tpu.memory_space<semaphore_mem>>)
    %mul3A_101 = arith.constant 192 : i32
    %mul3A_102 = arith.muli %arg1, %mul3A_101 : i32
    %add3A_103 = arith.constant 6144 : i32
    %add3A_104 = arith.addi %add3A_103, %mul3A_102 : i32
    %dma_start3A_105 = arith.constant 384 : i32
    %dma_start3A_106 = tpu.memref_slice %arg9[%dma_start3A_105] : memref<3072xf32, #tpu.memory_space<vmem>> -> memref<192xf32, #tpu.memory_space<vmem>>
    %dma_start3A_107 = tpu.memref_slice %arg10[%add3A_104] : memref<49152xf32, #tpu.memory_space<vmem_shared>> -> memref<192xf32, #tpu.memory_space<vmem_shared>>
    %dma_start3A_108 = arith.constant 384 : i32
    %dma_start3A_109 = tpu.memref_slice %arg9[%dma_start3A_108] : memref<3072xf32, #tpu.memory_space<vmem>> -> memref<192xf32, #tpu.memory_space<vmem>>
    %dma_start3A_110 = tpu.memref_slice %arg10[%add3A_104] : memref<49152xf32, #tpu.memory_space<vmem_shared>> -> memref<192xf32, #tpu.memory_space<vmem_shared>>
    tpu.enqueue_dma source(%dma_start3A_110 : memref<192xf32, #tpu.memory_space<vmem_shared>>) target(%dma_start3A_109 : memref<192xf32, #tpu.memory_space<vmem>>) target_semaphore(%arg11 : memref<!tpu.dma_semaphore, #tpu.memory_space<semaphore_mem>>)
    %mul3A_111 = arith.constant 192 : i32
    %mul3A_112 = arith.muli %arg1, %mul3A_111 : i32
    %add3A_113 = arith.constant 9216 : i32
    %add3A_114 = arith.addi %add3A_113, %mul3A_112 : i32
    %dma_start3A_115 = arith.constant 576 : i32
    %dma_start3A_116 = tpu.memref_slice %arg9[%dma_start3A_115] : memref<3072xf32, #tpu.memory_space<vmem>> -> memref<192xf32, #tpu.memory_space<vmem>>
    %dma_start3A_117 = tpu.memref_slice %arg10[%add3A_114] : memref<49152xf32, #tpu.memory_space<vmem_shared>> -> memref<192xf32, #tpu.memory_space<vmem_shared>>
    %dma_start3A_118 = arith.constant 576 : i32
    %dma_start3A_119 = tpu.memref_slice %arg9[%dma_start3A_118] : memref<3072xf32, #tpu.memory_space<vmem>> -> memref<192xf32, #tpu.memory_space<vmem>>
    %dma_start3A_120 = tpu.memref_slice %arg10[%add3A_114] : memref<49152xf32, #tpu.memory_space<vmem_shared>> -> memref<192xf32, #tpu.memory_space<vmem_shared>>
    tpu.enqueue_dma source(%dma_start3A_120 : memref<192xf32, #tpu.memory_space<vmem_shared>>) target(%dma_start3A_119 : memref<192xf32, #tpu.memory_space<vmem>>) target_semaphore(%arg11 : memref<!tpu.dma_semaphore, #tpu.memory_space<semaphore_mem>>)
    %mul3A_121 = arith.constant 192 : i32
    %mul3A_122 = arith.muli %arg1, %mul3A_121 : i32
    %add3A_123 = arith.constant 12288 : i32
    %add3A_124 = arith.addi %add3A_123, %mul3A_122 : i32
    %dma_start3A_125 = arith.constant 768 : i32
    %dma_start3A_126 = tpu.memref_slice %arg9[%dma_start3A_125] : memref<3072xf32, #tpu.memory_space<vmem>> -> memref<192xf32, #tpu.memory_space<vmem>>
    %dma_start3A_127 = tpu.memref_slice %arg10[%add3A_124] : memref<49152xf32, #tpu.memory_space<vmem_shared>> -> memref<192xf32, #tpu.memory_space<vmem_shared>>
    %dma_start3A_128 = arith.constant 768 : i32
    %dma_start3A_129 = tpu.memref_slice %arg9[%dma_start3A_128] : memref<3072xf32, #tpu.memory_space<vmem>> -> memref<192xf32, #tpu.memory_space<vmem>>
    %dma_start3A_130 = tpu.memref_slice %arg10[%add3A_124] : memref<49152xf32, #tpu.memory_space<vmem_shared>> -> memref<192xf32, #tpu.memory_space<vmem_shared>>
    tpu.enqueue_dma source(%dma_start3A_130 : memref<192xf32, #tpu.memory_space<vmem_shared>>) target(%dma_start3A_129 : memref<192xf32, #tpu.memory_space<vmem>>) target_semaphore(%arg11 : memref<!tpu.dma_semaphore, #tpu.memory_space<semaphore_mem>>)
    %mul3A_131 = arith.constant 192 : i32
    %mul3A_132 = arith.muli %arg1, %mul3A_131 : i32
    %add3A_133 = arith.constant 15360 : i32
    %add3A_134 = arith.addi %add3A_133, %mul3A_132 : i32
    %dma_start3A_135 = arith.constant 960 : i32
    %dma_start3A_136 = tpu.memref_slice %arg9[%dma_start3A_135] : memref<3072xf32, #tpu.memory_space<vmem>> -> memref<192xf32, #tpu.memory_space<vmem>>
    %dma_start3A_137 = tpu.memref_slice %arg10[%add3A_134] : memref<49152xf32, #tpu.memory_space<vmem_shared>> -> memref<192xf32, #tpu.memory_space<vmem_shared>>
    %dma_start3A_138 = arith.constant 960 : i32
    %dma_start3A_139 = tpu.memref_slice %arg9[%dma_start3A_138] : memref<3072xf32, #tpu.memory_space<vmem>> -> memref<192xf32, #tpu.memory_space<vmem>>
    %dma_start3A_140 = tpu.memref_slice %arg10[%add3A_134] : memref<49152xf32, #tpu.memory_space<vmem_shared>> -> memref<192xf32, #tpu.memory_space<vmem_shared>>
    tpu.enqueue_dma source(%dma_start3A_140 : memref<192xf32, #tpu.memory_space<vmem_shared>>) target(%dma_start3A_139 : memref<192xf32, #tpu.memory_space<vmem>>) target_semaphore(%arg11 : memref<!tpu.dma_semaphore, #tpu.memory_space<semaphore_mem>>)
    %mul3A_141 = arith.constant 192 : i32
    %mul3A_142 = arith.muli %arg1, %mul3A_141 : i32
    %add3A_143 = arith.constant 18432 : i32
    %add3A_144 = arith.addi %add3A_143, %mul3A_142 : i32
    %dma_start3A_145 = arith.constant 1152 : i32
    %dma_start3A_146 = tpu.memref_slice %arg9[%dma_start3A_145] : memref<3072xf32, #tpu.memory_space<vmem>> -> memref<192xf32, #tpu.memory_space<vmem>>
    %dma_start3A_147 = tpu.memref_slice %arg10[%add3A_144] : memref<49152xf32, #tpu.memory_space<vmem_shared>> -> memref<192xf32, #tpu.memory_space<vmem_shared>>
    %dma_start3A_148 = arith.constant 1152 : i32
    %dma_start3A_149 = tpu.memref_slice %arg9[%dma_start3A_148] : memref<3072xf32, #tpu.memory_space<vmem>> -> memref<192xf32, #tpu.memory_space<vmem>>
    %dma_start3A_150 = tpu.memref_slice %arg10[%add3A_144] : memref<49152xf32, #tpu.memory_space<vmem_shared>> -> memref<192xf32, #tpu.memory_space<vmem_shared>>
    tpu.enqueue_dma source(%dma_start3A_150 : memref<192xf32, #tpu.memory_space<vmem_shared>>) target(%dma_start3A_149 : memref<192xf32, #tpu.memory_space<vmem>>) target_semaphore(%arg11 : memref<!tpu.dma_semaphore, #tpu.memory_space<semaphore_mem>>)
    %mul3A_151 = arith.constant 192 : i32
    %mul3A_152 = arith.muli %arg1, %mul3A_151 : i32
    %add3A_153 = arith.constant 21504 : i32
    %add3A_154 = arith.addi %add3A_153, %mul3A_152 : i32
    %dma_start3A_155 = arith.constant 1344 : i32
    %dma_start3A_156 = tpu.memref_slice %arg9[%dma_start3A_155] : memref<3072xf32, #tpu.memory_space<vmem>> -> memref<192xf32, #tpu.memory_space<vmem>>
    %dma_start3A_157 = tpu.memref_slice %arg10[%add3A_154] : memref<49152xf32, #tpu.memory_space<vmem_shared>> -> memref<192xf32, #tpu.memory_space<vmem_shared>>
    %dma_start3A_158 = arith.constant 1344 : i32
    %dma_start3A_159 = tpu.memref_slice %arg9[%dma_start3A_158] : memref<3072xf32, #tpu.memory_space<vmem>> -> memref<192xf32, #tpu.memory_space<vmem>>
    %dma_start3A_160 = tpu.memref_slice %arg10[%add3A_154] : memref<49152xf32, #tpu.memory_space<vmem_shared>> -> memref<192xf32, #tpu.memory_space<vmem_shared>>
    tpu.enqueue_dma source(%dma_start3A_160 : memref<192xf32, #tpu.memory_space<vmem_shared>>) target(%dma_start3A_159 : memref<192xf32, #tpu.memory_space<vmem>>) target_semaphore(%arg11 : memref<!tpu.dma_semaphore, #tpu.memory_space<semaphore_mem>>)
    %mul3A_161 = arith.constant 192 : i32
    %mul3A_162 = arith.muli %arg1, %mul3A_161 : i32
    %add3A_163 = arith.constant 24576 : i32
    %add3A_164 = arith.addi %add3A_163, %mul3A_162 : i32
    %dma_start3A_165 = arith.constant 1536 : i32
    %dma_start3A_166 = tpu.memref_slice %arg9[%dma_start3A_165] : memref<3072xf32, #tpu.memory_space<vmem>> -> memref<192xf32, #tpu.memory_space<vmem>>
    %dma_start3A_167 = tpu.memref_slice %arg10[%add3A_164] : memref<49152xf32, #tpu.memory_space<vmem_shared>> -> memref<192xf32, #tpu.memory_space<vmem_shared>>
    %dma_start3A_168 = arith.constant 1536 : i32
    %dma_start3A_169 = tpu.memref_slice %arg9[%dma_start3A_168] : memref<3072xf32, #tpu.memory_space<vmem>> -> memref<192xf32, #tpu.memory_space<vmem>>
    %dma_start3A_170 = tpu.memref_slice %arg10[%add3A_164] : memref<49152xf32, #tpu.memory_space<vmem_shared>> -> memref<192xf32, #tpu.memory_space<vmem_shared>>
    tpu.enqueue_dma source(%dma_start3A_170 : memref<192xf32, #tpu.memory_space<vmem_shared>>) target(%dma_start3A_169 : memref<192xf32, #tpu.memory_space<vmem>>) target_semaphore(%arg11 : memref<!tpu.dma_semaphore, #tpu.memory_space<semaphore_mem>>)
    %mul3A_171 = arith.constant 192 : i32
    %mul3A_172 = arith.muli %arg1, %mul3A_171 : i32
    %add3A_173 = arith.constant 27648 : i32
    %add3A_174 = arith.addi %add3A_173, %mul3A_172 : i32
    %dma_start3A_175 = arith.constant 1728 : i32
    %dma_start3A_176 = tpu.memref_slice %arg9[%dma_start3A_175] : memref<3072xf32, #tpu.memory_space<vmem>> -> memref<192xf32, #tpu.memory_space<vmem>>
    %dma_start3A_177 = tpu.memref_slice %arg10[%add3A_174] : memref<49152xf32, #tpu.memory_space<vmem_shared>> -> memref<192xf32, #tpu.memory_space<vmem_shared>>
    %dma_start3A_178 = arith.constant 1728 : i32
    %dma_start3A_179 = tpu.memref_slice %arg9[%dma_start3A_178] : memref<3072xf32, #tpu.memory_space<vmem>> -> memref<192xf32, #tpu.memory_space<vmem>>
    %dma_start3A_180 = tpu.memref_slice %arg10[%add3A_174] : memref<49152xf32, #tpu.memory_space<vmem_shared>> -> memref<192xf32, #tpu.memory_space<vmem_shared>>
    tpu.enqueue_dma source(%dma_start3A_180 : memref<192xf32, #tpu.memory_space<vmem_shared>>) target(%dma_start3A_179 : memref<192xf32, #tpu.memory_space<vmem>>) target_semaphore(%arg11 : memref<!tpu.dma_semaphore, #tpu.memory_space<semaphore_mem>>)
    %mul3A_181 = arith.constant 192 : i32
    %mul3A_182 = arith.muli %arg1, %mul3A_181 : i32
    %add3A_183 = arith.constant 30720 : i32
    %add3A_184 = arith.addi %add3A_183, %mul3A_182 : i32
    %dma_start3A_185 = arith.constant 1920 : i32
    %dma_start3A_186 = tpu.memref_slice %arg9[%dma_start3A_185] : memref<3072xf32, #tpu.memory_space<vmem>> -> memref<192xf32, #tpu.memory_space<vmem>>
    %dma_start3A_187 = tpu.memref_slice %arg10[%add3A_184] : memref<49152xf32, #tpu.memory_space<vmem_shared>> -> memref<192xf32, #tpu.memory_space<vmem_shared>>
    %dma_start3A_188 = arith.constant 1920 : i32
    %dma_start3A_189 = tpu.memref_slice %arg9[%dma_start3A_188] : memref<3072xf32, #tpu.memory_space<vmem>> -> memref<192xf32, #tpu.memory_space<vmem>>
    %dma_start3A_190 = tpu.memref_slice %arg10[%add3A_184] : memref<49152xf32, #tpu.memory_space<vmem_shared>> -> memref<192xf32, #tpu.memory_space<vmem_shared>>
    tpu.enqueue_dma source(%dma_start3A_190 : memref<192xf32, #tpu.memory_space<vmem_shared>>) target(%dma_start3A_189 : memref<192xf32, #tpu.memory_space<vmem>>) target_semaphore(%arg11 : memref<!tpu.dma_semaphore, #tpu.memory_space<semaphore_mem>>)
    %mul3A_191 = arith.constant 192 : i32
    %mul3A_192 = arith.muli %arg1, %mul3A_191 : i32
    %add3A_193 = arith.constant 33792 : i32
    %add3A_194 = arith.addi %add3A_193, %mul3A_192 : i32
    %dma_start3A_195 = arith.constant 2112 : i32
    %dma_start3A_196 = tpu.memref_slice %arg9[%dma_start3A_195] : memref<3072xf32, #tpu.memory_space<vmem>> -> memref<192xf32, #tpu.memory_space<vmem>>
    %dma_start3A_197 = tpu.memref_slice %arg10[%add3A_194] : memref<49152xf32, #tpu.memory_space<vmem_shared>> -> memref<192xf32, #tpu.memory_space<vmem_shared>>
    %dma_start3A_198 = arith.constant 2112 : i32
    %dma_start3A_199 = tpu.memref_slice %arg9[%dma_start3A_198] : memref<3072xf32, #tpu.memory_space<vmem>> -> memref<192xf32, #tpu.memory_space<vmem>>
    %dma_start3A_200 = tpu.memref_slice %arg10[%add3A_194] : memref<49152xf32, #tpu.memory_space<vmem_shared>> -> memref<192xf32, #tpu.memory_space<vmem_shared>>
    tpu.enqueue_dma source(%dma_start3A_200 : memref<192xf32, #tpu.memory_space<vmem_shared>>) target(%dma_start3A_199 : memref<192xf32, #tpu.memory_space<vmem>>) target_semaphore(%arg11 : memref<!tpu.dma_semaphore, #tpu.memory_space<semaphore_mem>>)
    %mul3A_201 = arith.constant 192 : i32
    %mul3A_202 = arith.muli %arg1, %mul3A_201 : i32
    %add3A_203 = arith.constant 36864 : i32
    %add3A_204 = arith.addi %add3A_203, %mul3A_202 : i32
    %dma_start3A_205 = arith.constant 2304 : i32
    %dma_start3A_206 = tpu.memref_slice %arg9[%dma_start3A_205] : memref<3072xf32, #tpu.memory_space<vmem>> -> memref<192xf32, #tpu.memory_space<vmem>>
    %dma_start3A_207 = tpu.memref_slice %arg10[%add3A_204] : memref<49152xf32, #tpu.memory_space<vmem_shared>> -> memref<192xf32, #tpu.memory_space<vmem_shared>>
    %dma_start3A_208 = arith.constant 2304 : i32
    %dma_start3A_209 = tpu.memref_slice %arg9[%dma_start3A_208] : memref<3072xf32, #tpu.memory_space<vmem>> -> memref<192xf32, #tpu.memory_space<vmem>>
    %dma_start3A_210 = tpu.memref_slice %arg10[%add3A_204] : memref<49152xf32, #tpu.memory_space<vmem_shared>> -> memref<192xf32, #tpu.memory_space<vmem_shared>>
    tpu.enqueue_dma source(%dma_start3A_210 : memref<192xf32, #tpu.memory_space<vmem_shared>>) target(%dma_start3A_209 : memref<192xf32, #tpu.memory_space<vmem>>) target_semaphore(%arg11 : memref<!tpu.dma_semaphore, #tpu.memory_space<semaphore_mem>>)
    %mul3A_211 = arith.constant 192 : i32
    %mul3A_212 = arith.muli %arg1, %mul3A_211 : i32
    %add3A_213 = arith.constant 39936 : i32
    %add3A_214 = arith.addi %add3A_213, %mul3A_212 : i32
    %dma_start3A_215 = arith.constant 2496 : i32
    %dma_start3A_216 = tpu.memref_slice %arg9[%dma_start3A_215] : memref<3072xf32, #tpu.memory_space<vmem>> -> memref<192xf32, #tpu.memory_space<vmem>>
    %dma_start3A_217 = tpu.memref_slice %arg10[%add3A_214] : memref<49152xf32, #tpu.memory_space<vmem_shared>> -> memref<192xf32, #tpu.memory_space<vmem_shared>>
    %dma_start3A_218 = arith.constant 2496 : i32
    %dma_start3A_219 = tpu.memref_slice %arg9[%dma_start3A_218] : memref<3072xf32, #tpu.memory_space<vmem>> -> memref<192xf32, #tpu.memory_space<vmem>>
    %dma_start3A_220 = tpu.memref_slice %arg10[%add3A_214] : memref<49152xf32, #tpu.memory_space<vmem_shared>> -> memref<192xf32, #tpu.memory_space<vmem_shared>>
    tpu.enqueue_dma source(%dma_start3A_220 : memref<192xf32, #tpu.memory_space<vmem_shared>>) target(%dma_start3A_219 : memref<192xf32, #tpu.memory_space<vmem>>) target_semaphore(%arg11 : memref<!tpu.dma_semaphore, #tpu.memory_space<semaphore_mem>>)
    %mul3A_221 = arith.constant 192 : i32
    %mul3A_222 = arith.muli %arg1, %mul3A_221 : i32
    %add3A_223 = arith.constant 43008 : i32
    %add3A_224 = arith.addi %add3A_223, %mul3A_222 : i32
    %dma_start3A_225 = arith.constant 2688 : i32
    %dma_start3A_226 = tpu.memref_slice %arg9[%dma_start3A_225] : memref<3072xf32, #tpu.memory_space<vmem>> -> memref<192xf32, #tpu.memory_space<vmem>>
    %dma_start3A_227 = tpu.memref_slice %arg10[%add3A_224] : memref<49152xf32, #tpu.memory_space<vmem_shared>> -> memref<192xf32, #tpu.memory_space<vmem_shared>>
    %dma_start3A_228 = arith.constant 2688 : i32
    %dma_start3A_229 = tpu.memref_slice %arg9[%dma_start3A_228] : memref<3072xf32, #tpu.memory_space<vmem>> -> memref<192xf32, #tpu.memory_space<vmem>>
    %dma_start3A_230 = tpu.memref_slice %arg10[%add3A_224] : memref<49152xf32, #tpu.memory_space<vmem_shared>> -> memref<192xf32, #tpu.memory_space<vmem_shared>>
    tpu.enqueue_dma source(%dma_start3A_230 : memref<192xf32, #tpu.memory_space<vmem_shared>>) target(%dma_start3A_229 : memref<192xf32, #tpu.memory_space<vmem>>) target_semaphore(%arg11 : memref<!tpu.dma_semaphore, #tpu.memory_space<semaphore_mem>>)
    %mul3A_231 = arith.constant 192 : i32
    %mul3A_232 = arith.muli %arg1, %mul3A_231 : i32
    %add3A_233 = arith.constant 46080 : i32
    %add3A_234 = arith.addi %add3A_233, %mul3A_232 : i32
    %dma_start3A_235 = arith.constant 2880 : i32
    %dma_start3A_236 = tpu.memref_slice %arg9[%dma_start3A_235] : memref<3072xf32, #tpu.memory_space<vmem>> -> memref<192xf32, #tpu.memory_space<vmem>>
    %dma_start3A_237 = tpu.memref_slice %arg10[%add3A_234] : memref<49152xf32, #tpu.memory_space<vmem_shared>> -> memref<192xf32, #tpu.memory_space<vmem_shared>>
    %dma_start3A_238 = arith.constant 2880 : i32
    %dma_start3A_239 = tpu.memref_slice %arg9[%dma_start3A_238] : memref<3072xf32, #tpu.memory_space<vmem>> -> memref<192xf32, #tpu.memory_space<vmem>>
    %dma_start3A_240 = tpu.memref_slice %arg10[%add3A_234] : memref<49152xf32, #tpu.memory_space<vmem_shared>> -> memref<192xf32, #tpu.memory_space<vmem_shared>>
    tpu.enqueue_dma source(%dma_start3A_240 : memref<192xf32, #tpu.memory_space<vmem_shared>>) target(%dma_start3A_239 : memref<192xf32, #tpu.memory_space<vmem>>) target_semaphore(%arg11 : memref<!tpu.dma_semaphore, #tpu.memory_space<semaphore_mem>>)
    %dma_wait3A_241 = arith.constant 0 : i32
    %dma_wait3A_242 = tpu.memref_slice %arg9[%dma_wait3A_241] : memref<3072xf32, #tpu.memory_space<vmem>> -> memref<192xf32, #tpu.memory_space<vmem>>
    %dma_wait3A_243 = tpu.memref_slice %arg10[%add3A_84] : memref<49152xf32, #tpu.memory_space<vmem_shared>> -> memref<192xf32, #tpu.memory_space<vmem_shared>>
    %dma_wait3A_244 = arith.constant 0 : i32
    %dma_wait3A_245 = tpu.memref_slice %arg9[%dma_wait3A_244] : memref<3072xf32, #tpu.memory_space<vmem>> -> memref<192xf32, #tpu.memory_space<vmem>>
    %dma_wait3A_246 = tpu.memref_slice %arg10[%add3A_84] : memref<49152xf32, #tpu.memory_space<vmem_shared>> -> memref<192xf32, #tpu.memory_space<vmem_shared>>
    tpu.wait_dma2 semaphore(%arg11 : memref<!tpu.dma_semaphore, #tpu.memory_space<semaphore_mem>>) src(%dma_wait3A_246 : memref<192xf32, #tpu.memory_space<vmem_shared>>) dst(%dma_wait3A_245 : memref<192xf32, #tpu.memory_space<vmem>>)
    %dma_wait3A_247 = arith.constant 192 : i32
    %dma_wait3A_248 = tpu.memref_slice %arg9[%dma_wait3A_247] : memref<3072xf32, #tpu.memory_space<vmem>> -> memref<192xf32, #tpu.memory_space<vmem>>
    %dma_wait3A_249 = tpu.memref_slice %arg10[%add3A_94] : memref<49152xf32, #tpu.memory_space<vmem_shared>> -> memref<192xf32, #tpu.memory_space<vmem_shared>>
    %dma_wait3A_250 = arith.constant 192 : i32
    %dma_wait3A_251 = tpu.memref_slice %arg9[%dma_wait3A_250] : memref<3072xf32, #tpu.memory_space<vmem>> -> memref<192xf32, #tpu.memory_space<vmem>>
    %dma_wait3A_252 = tpu.memref_slice %arg10[%add3A_94] : memref<49152xf32, #tpu.memory_space<vmem_shared>> -> memref<192xf32, #tpu.memory_space<vmem_shared>>
    tpu.wait_dma2 semaphore(%arg11 : memref<!tpu.dma_semaphore, #tpu.memory_space<semaphore_mem>>) src(%dma_wait3A_252 : memref<192xf32, #tpu.memory_space<vmem_shared>>) dst(%dma_wait3A_251 : memref<192xf32, #tpu.memory_space<vmem>>)
    %dma_wait3A_253 = arith.constant 384 : i32
    %dma_wait3A_254 = tpu.memref_slice %arg9[%dma_wait3A_253] : memref<3072xf32, #tpu.memory_space<vmem>> -> memref<192xf32, #tpu.memory_space<vmem>>
    %dma_wait3A_255 = tpu.memref_slice %arg10[%add3A_104] : memref<49152xf32, #tpu.memory_space<vmem_shared>> -> memref<192xf32, #tpu.memory_space<vmem_shared>>
    %dma_wait3A_256 = arith.constant 384 : i32
    %dma_wait3A_257 = tpu.memref_slice %arg9[%dma_wait3A_256] : memref<3072xf32, #tpu.memory_space<vmem>> -> memref<192xf32, #tpu.memory_space<vmem>>
    %dma_wait3A_258 = tpu.memref_slice %arg10[%add3A_104] : memref<49152xf32, #tpu.memory_space<vmem_shared>> -> memref<192xf32, #tpu.memory_space<vmem_shared>>
    tpu.wait_dma2 semaphore(%arg11 : memref<!tpu.dma_semaphore, #tpu.memory_space<semaphore_mem>>) src(%dma_wait3A_258 : memref<192xf32, #tpu.memory_space<vmem_shared>>) dst(%dma_wait3A_257 : memref<192xf32, #tpu.memory_space<vmem>>)
    %dma_wait3A_259 = arith.constant 576 : i32
    %dma_wait3A_260 = tpu.memref_slice %arg9[%dma_wait3A_259] : memref<3072xf32, #tpu.memory_space<vmem>> -> memref<192xf32, #tpu.memory_space<vmem>>
    %dma_wait3A_261 = tpu.memref_slice %arg10[%add3A_114] : memref<49152xf32, #tpu.memory_space<vmem_shared>> -> memref<192xf32, #tpu.memory_space<vmem_shared>>
    %dma_wait3A_262 = arith.constant 576 : i32
    %dma_wait3A_263 = tpu.memref_slice %arg9[%dma_wait3A_262] : memref<3072xf32, #tpu.memory_space<vmem>> -> memref<192xf32, #tpu.memory_space<vmem>>
    %dma_wait3A_264 = tpu.memref_slice %arg10[%add3A_114] : memref<49152xf32, #tpu.memory_space<vmem_shared>> -> memref<192xf32, #tpu.memory_space<vmem_shared>>
    tpu.wait_dma2 semaphore(%arg11 : memref<!tpu.dma_semaphore, #tpu.memory_space<semaphore_mem>>) src(%dma_wait3A_264 : memref<192xf32, #tpu.memory_space<vmem_shared>>) dst(%dma_wait3A_263 : memref<192xf32, #tpu.memory_space<vmem>>)
    %dma_wait3A_265 = arith.constant 768 : i32
    %dma_wait3A_266 = tpu.memref_slice %arg9[%dma_wait3A_265] : memref<3072xf32, #tpu.memory_space<vmem>> -> memref<192xf32, #tpu.memory_space<vmem>>
    %dma_wait3A_267 = tpu.memref_slice %arg10[%add3A_124] : memref<49152xf32, #tpu.memory_space<vmem_shared>> -> memref<192xf32, #tpu.memory_space<vmem_shared>>
    %dma_wait3A_268 = arith.constant 768 : i32
    %dma_wait3A_269 = tpu.memref_slice %arg9[%dma_wait3A_268] : memref<3072xf32, #tpu.memory_space<vmem>> -> memref<192xf32, #tpu.memory_space<vmem>>
    %dma_wait3A_270 = tpu.memref_slice %arg10[%add3A_124] : memref<49152xf32, #tpu.memory_space<vmem_shared>> -> memref<192xf32, #tpu.memory_space<vmem_shared>>
    tpu.wait_dma2 semaphore(%arg11 : memref<!tpu.dma_semaphore, #tpu.memory_space<semaphore_mem>>) src(%dma_wait3A_270 : memref<192xf32, #tpu.memory_space<vmem_shared>>) dst(%dma_wait3A_269 : memref<192xf32, #tpu.memory_space<vmem>>)
    %dma_wait3A_271 = arith.constant 960 : i32
    %dma_wait3A_272 = tpu.memref_slice %arg9[%dma_wait3A_271] : memref<3072xf32, #tpu.memory_space<vmem>> -> memref<192xf32, #tpu.memory_space<vmem>>
    %dma_wait3A_273 = tpu.memref_slice %arg10[%add3A_134] : memref<49152xf32, #tpu.memory_space<vmem_shared>> -> memref<192xf32, #tpu.memory_space<vmem_shared>>
    %dma_wait3A_274 = arith.constant 960 : i32
    %dma_wait3A_275 = tpu.memref_slice %arg9[%dma_wait3A_274] : memref<3072xf32, #tpu.memory_space<vmem>> -> memref<192xf32, #tpu.memory_space<vmem>>
    %dma_wait3A_276 = tpu.memref_slice %arg10[%add3A_134] : memref<49152xf32, #tpu.memory_space<vmem_shared>> -> memref<192xf32, #tpu.memory_space<vmem_shared>>
    tpu.wait_dma2 semaphore(%arg11 : memref<!tpu.dma_semaphore, #tpu.memory_space<semaphore_mem>>) src(%dma_wait3A_276 : memref<192xf32, #tpu.memory_space<vmem_shared>>) dst(%dma_wait3A_275 : memref<192xf32, #tpu.memory_space<vmem>>)
    %dma_wait3A_277 = arith.constant 1152 : i32
    %dma_wait3A_278 = tpu.memref_slice %arg9[%dma_wait3A_277] : memref<3072xf32, #tpu.memory_space<vmem>> -> memref<192xf32, #tpu.memory_space<vmem>>
    %dma_wait3A_279 = tpu.memref_slice %arg10[%add3A_144] : memref<49152xf32, #tpu.memory_space<vmem_shared>> -> memref<192xf32, #tpu.memory_space<vmem_shared>>
    %dma_wait3A_280 = arith.constant 1152 : i32
    %dma_wait3A_281 = tpu.memref_slice %arg9[%dma_wait3A_280] : memref<3072xf32, #tpu.memory_space<vmem>> -> memref<192xf32, #tpu.memory_space<vmem>>
    %dma_wait3A_282 = tpu.memref_slice %arg10[%add3A_144] : memref<49152xf32, #tpu.memory_space<vmem_shared>> -> memref<192xf32, #tpu.memory_space<vmem_shared>>
    tpu.wait_dma2 semaphore(%arg11 : memref<!tpu.dma_semaphore, #tpu.memory_space<semaphore_mem>>) src(%dma_wait3A_282 : memref<192xf32, #tpu.memory_space<vmem_shared>>) dst(%dma_wait3A_281 : memref<192xf32, #tpu.memory_space<vmem>>)
    %dma_wait3A_283 = arith.constant 1344 : i32
    %dma_wait3A_284 = tpu.memref_slice %arg9[%dma_wait3A_283] : memref<3072xf32, #tpu.memory_space<vmem>> -> memref<192xf32, #tpu.memory_space<vmem>>
    %dma_wait3A_285 = tpu.memref_slice %arg10[%add3A_154] : memref<49152xf32, #tpu.memory_space<vmem_shared>> -> memref<192xf32, #tpu.memory_space<vmem_shared>>
    %dma_wait3A_286 = arith.constant 1344 : i32
    %dma_wait3A_287 = tpu.memref_slice %arg9[%dma_wait3A_286] : memref<3072xf32, #tpu.memory_space<vmem>> -> memref<192xf32, #tpu.memory_space<vmem>>
    %dma_wait3A_288 = tpu.memref_slice %arg10[%add3A_154] : memref<49152xf32, #tpu.memory_space<vmem_shared>> -> memref<192xf32, #tpu.memory_space<vmem_shared>>
    tpu.wait_dma2 semaphore(%arg11 : memref<!tpu.dma_semaphore, #tpu.memory_space<semaphore_mem>>) src(%dma_wait3A_288 : memref<192xf32, #tpu.memory_space<vmem_shared>>) dst(%dma_wait3A_287 : memref<192xf32, #tpu.memory_space<vmem>>)
    %dma_wait3A_289 = arith.constant 1536 : i32
    %dma_wait3A_290 = tpu.memref_slice %arg9[%dma_wait3A_289] : memref<3072xf32, #tpu.memory_space<vmem>> -> memref<192xf32, #tpu.memory_space<vmem>>
    %dma_wait3A_291 = tpu.memref_slice %arg10[%add3A_164] : memref<49152xf32, #tpu.memory_space<vmem_shared>> -> memref<192xf32, #tpu.memory_space<vmem_shared>>
    %dma_wait3A_292 = arith.constant 1536 : i32
    %dma_wait3A_293 = tpu.memref_slice %arg9[%dma_wait3A_292] : memref<3072xf32, #tpu.memory_space<vmem>> -> memref<192xf32, #tpu.memory_space<vmem>>
    %dma_wait3A_294 = tpu.memref_slice %arg10[%add3A_164] : memref<49152xf32, #tpu.memory_space<vmem_shared>> -> memref<192xf32, #tpu.memory_space<vmem_shared>>
    tpu.wait_dma2 semaphore(%arg11 : memref<!tpu.dma_semaphore, #tpu.memory_space<semaphore_mem>>) src(%dma_wait3A_294 : memref<192xf32, #tpu.memory_space<vmem_shared>>) dst(%dma_wait3A_293 : memref<192xf32, #tpu.memory_space<vmem>>)
    %dma_wait3A_295 = arith.constant 1728 : i32
    %dma_wait3A_296 = tpu.memref_slice %arg9[%dma_wait3A_295] : memref<3072xf32, #tpu.memory_space<vmem>> -> memref<192xf32, #tpu.memory_space<vmem>>
    %dma_wait3A_297 = tpu.memref_slice %arg10[%add3A_174] : memref<49152xf32, #tpu.memory_space<vmem_shared>> -> memref<192xf32, #tpu.memory_space<vmem_shared>>
    %dma_wait3A_298 = arith.constant 1728 : i32
    %dma_wait3A_299 = tpu.memref_slice %arg9[%dma_wait3A_298] : memref<3072xf32, #tpu.memory_space<vmem>> -> memref<192xf32, #tpu.memory_space<vmem>>
    %dma_wait3A_300 = tpu.memref_slice %arg10[%add3A_174] : memref<49152xf32, #tpu.memory_space<vmem_shared>> -> memref<192xf32, #tpu.memory_space<vmem_shared>>
    tpu.wait_dma2 semaphore(%arg11 : memref<!tpu.dma_semaphore, #tpu.memory_space<semaphore_mem>>) src(%dma_wait3A_300 : memref<192xf32, #tpu.memory_space<vmem_shared>>) dst(%dma_wait3A_299 : memref<192xf32, #tpu.memory_space<vmem>>)
    %dma_wait3A_301 = arith.constant 1920 : i32
    %dma_wait3A_302 = tpu.memref_slice %arg9[%dma_wait3A_301] : memref<3072xf32, #tpu.memory_space<vmem>> -> memref<192xf32, #tpu.memory_space<vmem>>
    %dma_wait3A_303 = tpu.memref_slice %arg10[%add3A_184] : memref<49152xf32, #tpu.memory_space<vmem_shared>> -> memref<192xf32, #tpu.memory_space<vmem_shared>>
    %dma_wait3A_304 = arith.constant 1920 : i32
    %dma_wait3A_305 = tpu.memref_slice %arg9[%dma_wait3A_304] : memref<3072xf32, #tpu.memory_space<vmem>> -> memref<192xf32, #tpu.memory_space<vmem>>
    %dma_wait3A_306 = tpu.memref_slice %arg10[%add3A_184] : memref<49152xf32, #tpu.memory_space<vmem_shared>> -> memref<192xf32, #tpu.memory_space<vmem_shared>>
    tpu.wait_dma2 semaphore(%arg11 : memref<!tpu.dma_semaphore, #tpu.memory_space<semaphore_mem>>) src(%dma_wait3A_306 : memref<192xf32, #tpu.memory_space<vmem_shared>>) dst(%dma_wait3A_305 : memref<192xf32, #tpu.memory_space<vmem>>)
    %dma_wait3A_307 = arith.constant 2112 : i32
    %dma_wait3A_308 = tpu.memref_slice %arg9[%dma_wait3A_307] : memref<3072xf32, #tpu.memory_space<vmem>> -> memref<192xf32, #tpu.memory_space<vmem>>
    %dma_wait3A_309 = tpu.memref_slice %arg10[%add3A_194] : memref<49152xf32, #tpu.memory_space<vmem_shared>> -> memref<192xf32, #tpu.memory_space<vmem_shared>>
    %dma_wait3A_310 = arith.constant 2112 : i32
    %dma_wait3A_311 = tpu.memref_slice %arg9[%dma_wait3A_310] : memref<3072xf32, #tpu.memory_space<vmem>> -> memref<192xf32, #tpu.memory_space<vmem>>
    %dma_wait3A_312 = tpu.memref_slice %arg10[%add3A_194] : memref<49152xf32, #tpu.memory_space<vmem_shared>> -> memref<192xf32, #tpu.memory_space<vmem_shared>>
    tpu.wait_dma2 semaphore(%arg11 : memref<!tpu.dma_semaphore, #tpu.memory_space<semaphore_mem>>) src(%dma_wait3A_312 : memref<192xf32, #tpu.memory_space<vmem_shared>>) dst(%dma_wait3A_311 : memref<192xf32, #tpu.memory_space<vmem>>)
    %dma_wait3A_313 = arith.constant 2304 : i32
    %dma_wait3A_314 = tpu.memref_slice %arg9[%dma_wait3A_313] : memref<3072xf32, #tpu.memory_space<vmem>> -> memref<192xf32, #tpu.memory_space<vmem>>
    %dma_wait3A_315 = tpu.memref_slice %arg10[%add3A_204] : memref<49152xf32, #tpu.memory_space<vmem_shared>> -> memref<192xf32, #tpu.memory_space<vmem_shared>>
    %dma_wait3A_316 = arith.constant 2304 : i32
    %dma_wait3A_317 = tpu.memref_slice %arg9[%dma_wait3A_316] : memref<3072xf32, #tpu.memory_space<vmem>> -> memref<192xf32, #tpu.memory_space<vmem>>
    %dma_wait3A_318 = tpu.memref_slice %arg10[%add3A_204] : memref<49152xf32, #tpu.memory_space<vmem_shared>> -> memref<192xf32, #tpu.memory_space<vmem_shared>>
    tpu.wait_dma2 semaphore(%arg11 : memref<!tpu.dma_semaphore, #tpu.memory_space<semaphore_mem>>) src(%dma_wait3A_318 : memref<192xf32, #tpu.memory_space<vmem_shared>>) dst(%dma_wait3A_317 : memref<192xf32, #tpu.memory_space<vmem>>)
    %dma_wait3A_319 = arith.constant 2496 : i32
    %dma_wait3A_320 = tpu.memref_slice %arg9[%dma_wait3A_319] : memref<3072xf32, #tpu.memory_space<vmem>> -> memref<192xf32, #tpu.memory_space<vmem>>
    %dma_wait3A_321 = tpu.memref_slice %arg10[%add3A_214] : memref<49152xf32, #tpu.memory_space<vmem_shared>> -> memref<192xf32, #tpu.memory_space<vmem_shared>>
    %dma_wait3A_322 = arith.constant 2496 : i32
    %dma_wait3A_323 = tpu.memref_slice %arg9[%dma_wait3A_322] : memref<3072xf32, #tpu.memory_space<vmem>> -> memref<192xf32, #tpu.memory_space<vmem>>
    %dma_wait3A_324 = tpu.memref_slice %arg10[%add3A_214] : memref<49152xf32, #tpu.memory_space<vmem_shared>> -> memref<192xf32, #tpu.memory_space<vmem_shared>>
    tpu.wait_dma2 semaphore(%arg11 : memref<!tpu.dma_semaphore, #tpu.memory_space<semaphore_mem>>) src(%dma_wait3A_324 : memref<192xf32, #tpu.memory_space<vmem_shared>>) dst(%dma_wait3A_323 : memref<192xf32, #tpu.memory_space<vmem>>)
    %dma_wait3A_325 = arith.constant 2688 : i32
    %dma_wait3A_326 = tpu.memref_slice %arg9[%dma_wait3A_325] : memref<3072xf32, #tpu.memory_space<vmem>> -> memref<192xf32, #tpu.memory_space<vmem>>
    %dma_wait3A_327 = tpu.memref_slice %arg10[%add3A_224] : memref<49152xf32, #tpu.memory_space<vmem_shared>> -> memref<192xf32, #tpu.memory_space<vmem_shared>>
    %dma_wait3A_328 = arith.constant 2688 : i32
    %dma_wait3A_329 = tpu.memref_slice %arg9[%dma_wait3A_328] : memref<3072xf32, #tpu.memory_space<vmem>> -> memref<192xf32, #tpu.memory_space<vmem>>
    %dma_wait3A_330 = tpu.memref_slice %arg10[%add3A_224] : memref<49152xf32, #tpu.memory_space<vmem_shared>> -> memref<192xf32, #tpu.memory_space<vmem_shared>>
    tpu.wait_dma2 semaphore(%arg11 : memref<!tpu.dma_semaphore, #tpu.memory_space<semaphore_mem>>) src(%dma_wait3A_330 : memref<192xf32, #tpu.memory_space<vmem_shared>>) dst(%dma_wait3A_329 : memref<192xf32, #tpu.memory_space<vmem>>)
    %dma_wait3A_331 = arith.constant 2880 : i32
    %dma_wait3A_332 = tpu.memref_slice %arg9[%dma_wait3A_331] : memref<3072xf32, #tpu.memory_space<vmem>> -> memref<192xf32, #tpu.memory_space<vmem>>
    %dma_wait3A_333 = tpu.memref_slice %arg10[%add3A_234] : memref<49152xf32, #tpu.memory_space<vmem_shared>> -> memref<192xf32, #tpu.memory_space<vmem_shared>>
    %dma_wait3A_334 = arith.constant 2880 : i32
    %dma_wait3A_335 = tpu.memref_slice %arg9[%dma_wait3A_334] : memref<3072xf32, #tpu.memory_space<vmem>> -> memref<192xf32, #tpu.memory_space<vmem>>
    %dma_wait3A_336 = tpu.memref_slice %arg10[%add3A_234] : memref<49152xf32, #tpu.memory_space<vmem_shared>> -> memref<192xf32, #tpu.memory_space<vmem_shared>>
    tpu.wait_dma2 semaphore(%arg11 : memref<!tpu.dma_semaphore, #tpu.memory_space<semaphore_mem>>) src(%dma_wait3A_336 : memref<192xf32, #tpu.memory_space<vmem_shared>>) dst(%dma_wait3A_335 : memref<192xf32, #tpu.memory_space<vmem>>)
    %scan3A_337 = arith.constant 0 : i32
    %scan3A_338 = arith.constant 0 : i32
    %scan3A_339 = arith.constant 12 : i32
    %scan3A_340 = arith.addi %scan3A_338, %scan3A_339 : i32
    %scan3A_341 = arith.constant 1 : i32
    %scan3A_342 = scf.for %scan3A_349 = %scan3A_338 to %scan3A_340 step %scan3A_341 iter_args(%scan3A_350 = %scan3A_337) -> (i32)  : i32 {
      %broadcast_in_dim3A_351 = arith.constant 0.000000e+00 : f32
      %broadcast_in_dim3A_352 = vector.broadcast %broadcast_in_dim3A_351 : f32 to vector<16xf32>
      %scan3A_353 = arith.constant 0 : i32
      %scan3A_354 = arith.constant 16 : i32
      %scan3A_355 = arith.addi %scan3A_353, %scan3A_354 : i32
      %scan3A_356 = arith.constant 1 : i32
      %scan3A_357 = scf.for %scan3A_363 = %scan3A_353 to %scan3A_355 step %scan3A_356 iter_args(%scan3A_364 = %broadcast_in_dim3A_352) -> (vector<16xf32>)  : i32 {
        %mul3A_365 = arith.constant 192 : i32
        %mul3A_366 = arith.muli %scan3A_363, %mul3A_365 : i32
        %mul3A_367 = arith.constant 16 : i32
        %mul3A_368 = arith.muli %scan3A_349, %mul3A_367 : i32
        %add3A_369 = arith.addi %mul3A_366, %mul3A_368 : i32
        %get3A = arith.index_cast %add3A_369 : i32 to index
        %get3A_370 = tpu.vector_load %arg9[%get3A] {strides = array<i32>} : memref<3072xf32, #tpu.memory_space<vmem>>, vector<16xf32>,
        %add3A_371 = arith.addf %scan3A_364, %get3A_370 : vector<16xf32>
        scf.yield %add3A_371 : vector<16xf32>
      }
      %scan3A_358 = arith.constant 16 : i32
      %mul3A_359 = arith.constant 16 : i32
      %mul3A_360 = arith.muli %scan3A_349, %mul3A_359 : i32
      %swap3A = arith.index_cast %mul3A_360 : i32 to index
      %swap3A_361 = tpu.vector_load %arg8[%swap3A] {strides = array<i32>} : memref<192xf32, #tpu.memory_space<vmem>>, vector<16xf32>,
      tpu.vector_store %arg8[%swap3A], %scan3A_357 {strides = array<i32>} : memref<192xf32, #tpu.memory_space<vmem>>, vector<16xf32>,
      %scan3A_362 = arith.constant 0 : i32
      scf.yield %scan3A_362 : i32
    }
    %scan3A_343 = arith.constant 12 : i32
    %mul3A_344 = arith.constant 3072 : i32
    %mul3A_345 = arith.muli %arg0, %mul3A_344 : i32
    %mul3A_346 = arith.constant 192 : i32
    %mul3A_347 = arith.muli %arg1, %mul3A_346 : i32
    %add3A_348 = arith.addi %mul3A_345, %mul3A_347 : i32
    "tpu.region"() ({
      %run_scoped3A = tpu.sem_alloc : memref<!tpu.dma_semaphore, #tpu.memory_space<semaphore_mem>>
      %dma_start3A_349 = tpu.memref_slice %arg4[%add3A_348] : memref<6144xf32, #tpu.memory_space<hbm>> -> memref<192xf32, #tpu.memory_space<hbm>>
      %dma_start3A_350 = tpu.memref_slice %arg4[%add3A_348] : memref<6144xf32, #tpu.memory_space<hbm>> -> memref<192xf32, #tpu.memory_space<hbm>>
      tpu.enqueue_dma source(%arg8 : memref<192xf32, #tpu.memory_space<vmem>>) target(%dma_start3A_350 : memref<192xf32, #tpu.memory_space<hbm>>) target_semaphore(%run_scoped3A : memref<!tpu.dma_semaphore, #tpu.memory_space<semaphore_mem>>)
      %dma_wait3A_351 = tpu.memref_slice %arg4[%add3A_348] : memref<6144xf32, #tpu.memory_space<hbm>> -> memref<192xf32, #tpu.memory_space<hbm>>
      %dma_wait3A_352 = tpu.memref_slice %arg4[%add3A_348] : memref<6144xf32, #tpu.memory_space<hbm>> -> memref<192xf32, #tpu.memory_space<hbm>>
      tpu.wait_dma2 semaphore(%run_scoped3A : memref<!tpu.dma_semaphore, #tpu.memory_space<semaphore_mem>>) src(%arg8 : memref<192xf32, #tpu.memory_space<vmem>>) dst(%dma_wait3A_352 : memref<192xf32, #tpu.memory_space<hbm>>)
      tpu.yield
    }) : () -> ()
    return
  }
}

#map = affine_map<(d0, d1) -> (0)>
module attributes {stable_mosaic.version = 14 : i64} {
  func.func @_segsum_body(%arg0: i32, %arg1: i32, %arg2: memref<76800xf32, #tpu.memory_space<hbm>>, %arg3: memref<100000xi32, #tpu.memory_space<hbm>>, %arg4: memref<6144xf32, #tpu.memory_space<hbm>>, %arg5: memref<2400xf32, #tpu.memory_space<vmem>>, %arg6: memref<800xi32, #tpu.memory_space<vmem>>, %arg7: memref<3072xf32, #tpu.memory_space<vmem>>, %arg8: memref<192xf32, #tpu.memory_space<vmem>>, %arg9: memref<3072xf32, #tpu.memory_space<vmem>>, %arg10: memref<49152xf32, #tpu.memory_space<vmem_shared>>, %arg11: memref<!tpu.dma_semaphore, #tpu.memory_space<semaphore_mem>>) attributes {dimension_semantics = [#tpu.dimension_semantics<core_parallel>, #tpu.dimension_semantics<subcore_parallel>], iteration_bounds = array<i64: 2, 16>, scalar_prefetch = 0 : i64, scratch_operands = 7 : i64, tpu.core_type = #tpu.core_type<sc_vector_subcore>, window_params = [{transform_indices = #map}, {transform_indices = #map}, {transform_indices = #map}]} {
    %mul3A = arith.constant 16 : i32
    %mul3A_0 = arith.muli %arg0, %mul3A : i32
    %add3A = arith.addi %mul3A_0, %arg1 : i32
    %mul3A_1 = arith.constant 800 : i32
    %mul3A_2 = arith.muli %add3A, %mul3A_1 : i32
    %add3A_3 = arith.constant 0 : i32
    %add3A_4 = arith.addi %add3A_3, %mul3A_2 : i32
    %dma_start3A = arith.constant 0 : i32
    %dma_start3A_5 = tpu.memref_slice %arg5[%dma_start3A] : memref<2400xf32, #tpu.memory_space<vmem>> -> memref<800xf32, #tpu.memory_space<vmem>>
    %dma_start3A_6 = tpu.memref_slice %arg2[%add3A_4] : memref<76800xf32, #tpu.memory_space<hbm>> -> memref<800xf32, #tpu.memory_space<hbm>>
    %dma_start3A_7 = arith.constant 0 : i32
    %dma_start3A_8 = tpu.memref_slice %arg5[%dma_start3A_7] : memref<2400xf32, #tpu.memory_space<vmem>> -> memref<800xf32, #tpu.memory_space<vmem>>
    %dma_start3A_9 = tpu.memref_slice %arg2[%add3A_4] : memref<76800xf32, #tpu.memory_space<hbm>> -> memref<800xf32, #tpu.memory_space<hbm>>
    tpu.enqueue_dma source(%dma_start3A_9 : memref<800xf32, #tpu.memory_space<hbm>>) target(%dma_start3A_8 : memref<800xf32, #tpu.memory_space<vmem>>) target_semaphore(%arg11 : memref<!tpu.dma_semaphore, #tpu.memory_space<semaphore_mem>>)
    %add3A_10 = arith.constant 25600 : i32
    %add3A_11 = arith.addi %add3A_10, %mul3A_2 : i32
    %dma_start3A_12 = arith.constant 800 : i32
    %dma_start3A_13 = tpu.memref_slice %arg5[%dma_start3A_12] : memref<2400xf32, #tpu.memory_space<vmem>> -> memref<800xf32, #tpu.memory_space<vmem>>
    %dma_start3A_14 = tpu.memref_slice %arg2[%add3A_11] : memref<76800xf32, #tpu.memory_space<hbm>> -> memref<800xf32, #tpu.memory_space<hbm>>
    %dma_start3A_15 = arith.constant 800 : i32
    %dma_start3A_16 = tpu.memref_slice %arg5[%dma_start3A_15] : memref<2400xf32, #tpu.memory_space<vmem>> -> memref<800xf32, #tpu.memory_space<vmem>>
    %dma_start3A_17 = tpu.memref_slice %arg2[%add3A_11] : memref<76800xf32, #tpu.memory_space<hbm>> -> memref<800xf32, #tpu.memory_space<hbm>>
    tpu.enqueue_dma source(%dma_start3A_17 : memref<800xf32, #tpu.memory_space<hbm>>) target(%dma_start3A_16 : memref<800xf32, #tpu.memory_space<vmem>>) target_semaphore(%arg11 : memref<!tpu.dma_semaphore, #tpu.memory_space<semaphore_mem>>)
    %add3A_18 = arith.constant 51200 : i32
    %add3A_19 = arith.addi %add3A_18, %mul3A_2 : i32
    %dma_start3A_20 = arith.constant 1600 : i32
    %dma_start3A_21 = tpu.memref_slice %arg5[%dma_start3A_20] : memref<2400xf32, #tpu.memory_space<vmem>> -> memref<800xf32, #tpu.memory_space<vmem>>
    %dma_start3A_22 = tpu.memref_slice %arg2[%add3A_19] : memref<76800xf32, #tpu.memory_space<hbm>> -> memref<800xf32, #tpu.memory_space<hbm>>
    %dma_start3A_23 = arith.constant 1600 : i32
    %dma_start3A_24 = tpu.memref_slice %arg5[%dma_start3A_23] : memref<2400xf32, #tpu.memory_space<vmem>> -> memref<800xf32, #tpu.memory_space<vmem>>
    %dma_start3A_25 = tpu.memref_slice %arg2[%add3A_19] : memref<76800xf32, #tpu.memory_space<hbm>> -> memref<800xf32, #tpu.memory_space<hbm>>
    tpu.enqueue_dma source(%dma_start3A_25 : memref<800xf32, #tpu.memory_space<hbm>>) target(%dma_start3A_24 : memref<800xf32, #tpu.memory_space<vmem>>) target_semaphore(%arg11 : memref<!tpu.dma_semaphore, #tpu.memory_space<semaphore_mem>>)
    %broadcast_in_dim3A = arith.constant 0 : i32
    %broadcast_in_dim3A_26 = vector.broadcast %broadcast_in_dim3A : i32 to vector<16xi32>
    %lt3A = arith.constant 29 : i32
    %lt3A_27 = arith.cmpi slt, %add3A, %lt3A : i32
    %convert_element_type3A = arith.extui %lt3A_27 : i1 to i32
    %cond3A = arith.constant 0 : i32
    %cond3A_28 = arith.cmpi ne, %convert_element_type3A, %cond3A : i32
    scf.if %cond3A_28 {
      %add3A_349 = arith.constant 76800 : i32
      %add3A_350 = arith.addi %add3A_349, %mul3A_2 : i32
      %dma_start3A_351 = tpu.memref_slice %arg3[%add3A_350] : memref<100000xi32, #tpu.memory_space<hbm>> -> memref<800xi32, #tpu.memory_space<hbm>>
      %dma_start3A_352 = tpu.memref_slice %arg3[%add3A_350] : memref<100000xi32, #tpu.memory_space<hbm>> -> memref<800xi32, #tpu.memory_space<hbm>>
      tpu.enqueue_dma source(%dma_start3A_352 : memref<800xi32, #tpu.memory_space<hbm>>) target(%arg6 : memref<800xi32, #tpu.memory_space<vmem>>) target_semaphore(%arg11 : memref<!tpu.dma_semaphore, #tpu.memory_space<semaphore_mem>>)
      %dma_wait3A_353 = tpu.memref_slice %arg3[%add3A_350] : memref<100000xi32, #tpu.memory_space<hbm>> -> memref<800xi32, #tpu.memory_space<hbm>>
      %dma_wait3A_354 = tpu.memref_slice %arg3[%add3A_350] : memref<100000xi32, #tpu.memory_space<hbm>> -> memref<800xi32, #tpu.memory_space<hbm>>
      tpu.wait_dma2 semaphore(%arg11 : memref<!tpu.dma_semaphore, #tpu.memory_space<semaphore_mem>>) src(%dma_wait3A_354 : memref<800xi32, #tpu.memory_space<hbm>>) dst(%arg6 : memref<800xi32, #tpu.memory_space<vmem>>)
    } else {
    }
    %ge3A = arith.constant 29 : i32
    %ge3A_29 = arith.cmpi sge, %add3A, %ge3A : i32
    %convert_element_type3A_30 = arith.extui %ge3A_29 : i1 to i32
    %cond3A_31 = arith.constant 0 : i32
    %cond3A_32 = arith.cmpi ne, %convert_element_type3A_30, %cond3A_31 : i32
    scf.if %cond3A_32 {
      %scan3A_349 = arith.constant 0 : i32
      %scan3A_350 = arith.constant 0 : i32
      %scan3A_351 = arith.constant 50 : i32
      %scan3A_352 = arith.addi %scan3A_350, %scan3A_351 : i32
      %scan3A_353 = arith.constant 1 : i32
      %scan3A_354 = scf.for %scan3A_356 = %scan3A_350 to %scan3A_352 step %scan3A_353 iter_args(%scan3A_357 = %scan3A_349) -> (i32)  : i32 {
        %mul3A_358 = arith.constant 16 : i32
        %mul3A_359 = arith.muli %scan3A_356, %mul3A_358 : i32
        %swap3A = arith.index_cast %mul3A_359 : i32 to index
        %swap3A_360 = tpu.vector_load %arg6[%swap3A] {strides = array<i32>} : memref<800xi32, #tpu.memory_space<vmem>>, vector<16xi32>,
        tpu.vector_store %arg6[%swap3A], %broadcast_in_dim3A_26 {strides = array<i32>} : memref<800xi32, #tpu.memory_space<vmem>>, vector<16xi32>,
        %scan3A_361 = arith.constant 0 : i32
        scf.yield %scan3A_361 : i32
      }
      %scan3A_355 = arith.constant 50 : i32
    } else {
    }
    %broadcast_in_dim3A_33 = arith.constant 0.000000e+00 : f32
    %broadcast_in_dim3A_34 = vector.broadcast %broadcast_in_dim3A_33 : f32 to vector<16xf32>
    %dma_wait3A = arith.constant 0 : i32
    %dma_wait3A_35 = tpu.memref_slice %arg5[%dma_wait3A] : memref<2400xf32, #tpu.memory_space<vmem>> -> memref<800xf32, #tpu.memory_space<vmem>>
    %dma_wait3A_36 = tpu.memref_slice %arg2[%add3A_4] : memref<76800xf32, #tpu.memory_space<hbm>> -> memref<800xf32, #tpu.memory_space<hbm>>
    %dma_wait3A_37 = arith.constant 0 : i32
    %dma_wait3A_38 = tpu.memref_slice %arg5[%dma_wait3A_37] : memref<2400xf32, #tpu.memory_space<vmem>> -> memref<800xf32, #tpu.memory_space<vmem>>
    %dma_wait3A_39 = tpu.memref_slice %arg2[%add3A_4] : memref<76800xf32, #tpu.memory_space<hbm>> -> memref<800xf32, #tpu.memory_space<hbm>>
    tpu.wait_dma2 semaphore(%arg11 : memref<!tpu.dma_semaphore, #tpu.memory_space<semaphore_mem>>) src(%dma_wait3A_39 : memref<800xf32, #tpu.memory_space<hbm>>) dst(%dma_wait3A_38 : memref<800xf32, #tpu.memory_space<vmem>>)
    %dma_wait3A_40 = arith.constant 800 : i32
    %dma_wait3A_41 = tpu.memref_slice %arg5[%dma_wait3A_40] : memref<2400xf32, #tpu.memory_space<vmem>> -> memref<800xf32, #tpu.memory_space<vmem>>
    %dma_wait3A_42 = tpu.memref_slice %arg2[%add3A_11] : memref<76800xf32, #tpu.memory_space<hbm>> -> memref<800xf32, #tpu.memory_space<hbm>>
    %dma_wait3A_43 = arith.constant 800 : i32
    %dma_wait3A_44 = tpu.memref_slice %arg5[%dma_wait3A_43] : memref<2400xf32, #tpu.memory_space<vmem>> -> memref<800xf32, #tpu.memory_space<vmem>>
    %dma_wait3A_45 = tpu.memref_slice %arg2[%add3A_11] : memref<76800xf32, #tpu.memory_space<hbm>> -> memref<800xf32, #tpu.memory_space<hbm>>
    tpu.wait_dma2 semaphore(%arg11 : memref<!tpu.dma_semaphore, #tpu.memory_space<semaphore_mem>>) src(%dma_wait3A_45 : memref<800xf32, #tpu.memory_space<hbm>>) dst(%dma_wait3A_44 : memref<800xf32, #tpu.memory_space<vmem>>)
    %dma_wait3A_46 = arith.constant 1600 : i32
    %dma_wait3A_47 = tpu.memref_slice %arg5[%dma_wait3A_46] : memref<2400xf32, #tpu.memory_space<vmem>> -> memref<800xf32, #tpu.memory_space<vmem>>
    %dma_wait3A_48 = tpu.memref_slice %arg2[%add3A_19] : memref<76800xf32, #tpu.memory_space<hbm>> -> memref<800xf32, #tpu.memory_space<hbm>>
    %dma_wait3A_49 = arith.constant 1600 : i32
    %dma_wait3A_50 = tpu.memref_slice %arg5[%dma_wait3A_49] : memref<2400xf32, #tpu.memory_space<vmem>> -> memref<800xf32, #tpu.memory_space<vmem>>
    %dma_wait3A_51 = tpu.memref_slice %arg2[%add3A_19] : memref<76800xf32, #tpu.memory_space<hbm>> -> memref<800xf32, #tpu.memory_space<hbm>>
    tpu.wait_dma2 semaphore(%arg11 : memref<!tpu.dma_semaphore, #tpu.memory_space<semaphore_mem>>) src(%dma_wait3A_51 : memref<800xf32, #tpu.memory_space<hbm>>) dst(%dma_wait3A_50 : memref<800xf32, #tpu.memory_space<vmem>>)
    %scan3A = arith.constant 0 : i32
    %scan3A_52 = arith.constant 0 : i32
    %scan3A_53 = arith.constant 192 : i32
    %scan3A_54 = arith.addi %scan3A_52, %scan3A_53 : i32
    %scan3A_55 = arith.constant 1 : i32
    %scan3A_56 = scf.for %scan3A_349 = %scan3A_52 to %scan3A_54 step %scan3A_55 iter_args(%scan3A_350 = %scan3A) -> (i32)  : i32 {
      %mul3A_351 = arith.constant 16 : i32
      %mul3A_352 = arith.muli %scan3A_349, %mul3A_351 : i32
      %swap3A = arith.index_cast %mul3A_352 : i32 to index
      %swap3A_353 = tpu.vector_load %arg7[%swap3A] {strides = array<i32>} : memref<3072xf32, #tpu.memory_space<vmem>>, vector<16xf32>,
      tpu.vector_store %arg7[%swap3A], %broadcast_in_dim3A_34 {strides = array<i32>} : memref<3072xf32, #tpu.memory_space<vmem>>, vector<16xf32>,
      %scan3A_354 = arith.constant 0 : i32
      scf.yield %scan3A_354 : i32
    }
    %scan3A_57 = arith.constant 192 : i32
    %scan3A_58 = arith.constant 0 : i32
    %scan3A_59 = arith.constant 0 : i32
    %scan3A_60 = arith.constant 25 : i32
    %scan3A_61 = arith.addi %scan3A_59, %scan3A_60 : i32
    %scan3A_62 = arith.constant 1 : i32
    %scan3A_63 = scf.for %scan3A_349 = %scan3A_59 to %scan3A_61 step %scan3A_62 iter_args(%scan3A_350 = %scan3A_58) -> (i32)  : i32 {
      %mul3A_351 = arith.constant 32 : i32
      %mul3A_352 = arith.muli %scan3A_349, %mul3A_351 : i32
      %add3A_353 = arith.constant 0 : i32
      %add3A_354 = arith.addi %mul3A_352, %add3A_353 : i32
      %get3A = arith.index_cast %add3A_354 : i32 to index
      %get3A_355 = tpu.vector_load %arg6[%get3A] {strides = array<i32>} : memref<800xi32, #tpu.memory_space<vmem>>, vector<16xi32>,
      %add3A_356 = arith.constant 0 : i32
      %add3A_357 = arith.addi %add3A_356, %add3A_354 : i32
      %get3A_358 = arith.index_cast %add3A_357 : i32 to index
      %get3A_359 = tpu.vector_load %arg5[%get3A_358] {strides = array<i32>} : memref<2400xf32, #tpu.memory_space<vmem>>, vector<16xf32>,
      %mul3A_360 = arith.constant 3 : i32
      %mul3A_361 = vector.broadcast %mul3A_360 : i32 to vector<16xi32>
      %mul3A_362 = arith.muli %get3A_355, %mul3A_361 : vector<16xi32>
      %add3A_363 = arith.constant 0 : i32
      %add3A_364 = vector.broadcast %add3A_363 : i32 to vector<16xi32>
      %add3A_365 = arith.addi %mul3A_362, %add3A_364 : vector<16xi32>
      tpu.vector_store_idx %arg7[%add3A_365], %get3A_359 {add = true} : memref<3072xf32, #tpu.memory_space<vmem>>[vector<16xi32>], vector<16xf32>,
      %mul3A_366 = arith.constant 32 : i32
      %mul3A_367 = arith.muli %scan3A_349, %mul3A_366 : i32
      %add3A_368 = arith.constant 16 : i32
      %add3A_369 = arith.addi %mul3A_367, %add3A_368 : i32
      %get3A_370 = arith.index_cast %add3A_369 : i32 to index
      %get3A_371 = tpu.vector_load %arg6[%get3A_370] {strides = array<i32>} : memref<800xi32, #tpu.memory_space<vmem>>, vector<16xi32>,
      %add3A_372 = arith.constant 0 : i32
      %add3A_373 = arith.addi %add3A_372, %add3A_369 : i32
      %get3A_374 = arith.index_cast %add3A_373 : i32 to index
      %get3A_375 = tpu.vector_load %arg5[%get3A_374] {strides = array<i32>} : memref<2400xf32, #tpu.memory_space<vmem>>, vector<16xf32>,
      %mul3A_376 = arith.constant 3 : i32
      %mul3A_377 = vector.broadcast %mul3A_376 : i32 to vector<16xi32>
      %mul3A_378 = arith.muli %get3A_371, %mul3A_377 : vector<16xi32>
      %add3A_379 = arith.constant 0 : i32
      %add3A_380 = vector.broadcast %add3A_379 : i32 to vector<16xi32>
      %add3A_381 = arith.addi %mul3A_378, %add3A_380 : vector<16xi32>
      tpu.vector_store_idx %arg7[%add3A_381], %get3A_375 {add = true} : memref<3072xf32, #tpu.memory_space<vmem>>[vector<16xi32>], vector<16xf32>,
      %scan3A_382 = arith.constant 0 : i32
      scf.yield %scan3A_382 : i32
    }
    %scan3A_64 = arith.constant 25 : i32
    %scan3A_65 = arith.constant 0 : i32
    %scan3A_66 = arith.constant 0 : i32
    %scan3A_67 = arith.constant 25 : i32
    %scan3A_68 = arith.addi %scan3A_66, %scan3A_67 : i32
    %scan3A_69 = arith.constant 1 : i32
    %scan3A_70 = scf.for %scan3A_349 = %scan3A_66 to %scan3A_68 step %scan3A_69 iter_args(%scan3A_350 = %scan3A_65) -> (i32)  : i32 {
      %mul3A_351 = arith.constant 32 : i32
      %mul3A_352 = arith.muli %scan3A_349, %mul3A_351 : i32
      %add3A_353 = arith.constant 0 : i32
      %add3A_354 = arith.addi %mul3A_352, %add3A_353 : i32
      %get3A = arith.index_cast %add3A_354 : i32 to index
      %get3A_355 = tpu.vector_load %arg6[%get3A] {strides = array<i32>} : memref<800xi32, #tpu.memory_space<vmem>>, vector<16xi32>,
      %add3A_356 = arith.constant 800 : i32
      %add3A_357 = arith.addi %add3A_356, %add3A_354 : i32
      %get3A_358 = arith.index_cast %add3A_357 : i32 to index
      %get3A_359 = tpu.vector_load %arg5[%get3A_358] {strides = array<i32>} : memref<2400xf32, #tpu.memory_space<vmem>>, vector<16xf32>,
      %mul3A_360 = arith.constant 3 : i32
      %mul3A_361 = vector.broadcast %mul3A_360 : i32 to vector<16xi32>
      %mul3A_362 = arith.muli %get3A_355, %mul3A_361 : vector<16xi32>
      %add3A_363 = arith.constant 1 : i32
      %add3A_364 = vector.broadcast %add3A_363 : i32 to vector<16xi32>
      %add3A_365 = arith.addi %mul3A_362, %add3A_364 : vector<16xi32>
      tpu.vector_store_idx %arg7[%add3A_365], %get3A_359 {add = true} : memref<3072xf32, #tpu.memory_space<vmem>>[vector<16xi32>], vector<16xf32>,
      %mul3A_366 = arith.constant 32 : i32
      %mul3A_367 = arith.muli %scan3A_349, %mul3A_366 : i32
      %add3A_368 = arith.constant 16 : i32
      %add3A_369 = arith.addi %mul3A_367, %add3A_368 : i32
      %get3A_370 = arith.index_cast %add3A_369 : i32 to index
      %get3A_371 = tpu.vector_load %arg6[%get3A_370] {strides = array<i32>} : memref<800xi32, #tpu.memory_space<vmem>>, vector<16xi32>,
      %add3A_372 = arith.constant 800 : i32
      %add3A_373 = arith.addi %add3A_372, %add3A_369 : i32
      %get3A_374 = arith.index_cast %add3A_373 : i32 to index
      %get3A_375 = tpu.vector_load %arg5[%get3A_374] {strides = array<i32>} : memref<2400xf32, #tpu.memory_space<vmem>>, vector<16xf32>,
      %mul3A_376 = arith.constant 3 : i32
      %mul3A_377 = vector.broadcast %mul3A_376 : i32 to vector<16xi32>
      %mul3A_378 = arith.muli %get3A_371, %mul3A_377 : vector<16xi32>
      %add3A_379 = arith.constant 1 : i32
      %add3A_380 = vector.broadcast %add3A_379 : i32 to vector<16xi32>
      %add3A_381 = arith.addi %mul3A_378, %add3A_380 : vector<16xi32>
      tpu.vector_store_idx %arg7[%add3A_381], %get3A_375 {add = true} : memref<3072xf32, #tpu.memory_space<vmem>>[vector<16xi32>], vector<16xf32>,
      %scan3A_382 = arith.constant 0 : i32
      scf.yield %scan3A_382 : i32
    }
    %scan3A_71 = arith.constant 25 : i32
    %scan3A_72 = arith.constant 0 : i32
    %scan3A_73 = arith.constant 0 : i32
    %scan3A_74 = arith.constant 25 : i32
    %scan3A_75 = arith.addi %scan3A_73, %scan3A_74 : i32
    %scan3A_76 = arith.constant 1 : i32
    %scan3A_77 = scf.for %scan3A_349 = %scan3A_73 to %scan3A_75 step %scan3A_76 iter_args(%scan3A_350 = %scan3A_72) -> (i32)  : i32 {
      %mul3A_351 = arith.constant 32 : i32
      %mul3A_352 = arith.muli %scan3A_349, %mul3A_351 : i32
      %add3A_353 = arith.constant 0 : i32
      %add3A_354 = arith.addi %mul3A_352, %add3A_353 : i32
      %get3A = arith.index_cast %add3A_354 : i32 to index
      %get3A_355 = tpu.vector_load %arg6[%get3A] {strides = array<i32>} : memref<800xi32, #tpu.memory_space<vmem>>, vector<16xi32>,
      %add3A_356 = arith.constant 1600 : i32
      %add3A_357 = arith.addi %add3A_356, %add3A_354 : i32
      %get3A_358 = arith.index_cast %add3A_357 : i32 to index
      %get3A_359 = tpu.vector_load %arg5[%get3A_358] {strides = array<i32>} : memref<2400xf32, #tpu.memory_space<vmem>>, vector<16xf32>,
      %mul3A_360 = arith.constant 3 : i32
      %mul3A_361 = vector.broadcast %mul3A_360 : i32 to vector<16xi32>
      %mul3A_362 = arith.muli %get3A_355, %mul3A_361 : vector<16xi32>
      %add3A_363 = arith.constant 2 : i32
      %add3A_364 = vector.broadcast %add3A_363 : i32 to vector<16xi32>
      %add3A_365 = arith.addi %mul3A_362, %add3A_364 : vector<16xi32>
      tpu.vector_store_idx %arg7[%add3A_365], %get3A_359 {add = true} : memref<3072xf32, #tpu.memory_space<vmem>>[vector<16xi32>], vector<16xf32>,
      %mul3A_366 = arith.constant 32 : i32
      %mul3A_367 = arith.muli %scan3A_349, %mul3A_366 : i32
      %add3A_368 = arith.constant 16 : i32
      %add3A_369 = arith.addi %mul3A_367, %add3A_368 : i32
      %get3A_370 = arith.index_cast %add3A_369 : i32 to index
      %get3A_371 = tpu.vector_load %arg6[%get3A_370] {strides = array<i32>} : memref<800xi32, #tpu.memory_space<vmem>>, vector<16xi32>,
      %add3A_372 = arith.constant 1600 : i32
      %add3A_373 = arith.addi %add3A_372, %add3A_369 : i32
      %get3A_374 = arith.index_cast %add3A_373 : i32 to index
      %get3A_375 = tpu.vector_load %arg5[%get3A_374] {strides = array<i32>} : memref<2400xf32, #tpu.memory_space<vmem>>, vector<16xf32>,
      %mul3A_376 = arith.constant 3 : i32
      %mul3A_377 = vector.broadcast %mul3A_376 : i32 to vector<16xi32>
      %mul3A_378 = arith.muli %get3A_371, %mul3A_377 : vector<16xi32>
      %add3A_379 = arith.constant 2 : i32
      %add3A_380 = vector.broadcast %add3A_379 : i32 to vector<16xi32>
      %add3A_381 = arith.addi %mul3A_378, %add3A_380 : vector<16xi32>
      tpu.vector_store_idx %arg7[%add3A_381], %get3A_375 {add = true} : memref<3072xf32, #tpu.memory_space<vmem>>[vector<16xi32>], vector<16xf32>,
      %scan3A_382 = arith.constant 0 : i32
      scf.yield %scan3A_382 : i32
    }
    %scan3A_78 = arith.constant 25 : i32
    %mul3A_79 = arith.constant 3072 : i32
    %mul3A_80 = arith.muli %arg1, %mul3A_79 : i32
    "tpu.region"() ({
      %run_scoped3A = tpu.sem_alloc : memref<!tpu.dma_semaphore, #tpu.memory_space<semaphore_mem>>
      %dma_start3A_349 = tpu.memref_slice %arg10[%mul3A_80] : memref<49152xf32, #tpu.memory_space<vmem_shared>> -> memref<3072xf32, #tpu.memory_space<vmem_shared>>
      %dma_start3A_350 = tpu.memref_slice %arg10[%mul3A_80] : memref<49152xf32, #tpu.memory_space<vmem_shared>> -> memref<3072xf32, #tpu.memory_space<vmem_shared>>
      tpu.enqueue_dma source(%arg7 : memref<3072xf32, #tpu.memory_space<vmem>>) target(%dma_start3A_350 : memref<3072xf32, #tpu.memory_space<vmem_shared>>) target_semaphore(%run_scoped3A : memref<!tpu.dma_semaphore, #tpu.memory_space<semaphore_mem>>)
      %dma_wait3A_351 = tpu.memref_slice %arg10[%mul3A_80] : memref<49152xf32, #tpu.memory_space<vmem_shared>> -> memref<3072xf32, #tpu.memory_space<vmem_shared>>
      %dma_wait3A_352 = tpu.memref_slice %arg10[%mul3A_80] : memref<49152xf32, #tpu.memory_space<vmem_shared>> -> memref<3072xf32, #tpu.memory_space<vmem_shared>>
      tpu.wait_dma2 semaphore(%run_scoped3A : memref<!tpu.dma_semaphore, #tpu.memory_space<semaphore_mem>>) src(%arg7 : memref<3072xf32, #tpu.memory_space<vmem>>) dst(%dma_wait3A_352 : memref<3072xf32, #tpu.memory_space<vmem_shared>>)
      tpu.yield
    }) : () -> ()
    %barrier3A = arith.constant 0 : index
    tpu.barrier barrier_id(%barrier3A)
    %mul3A_81 = arith.constant 192 : i32
    %mul3A_82 = arith.muli %arg1, %mul3A_81 : i32
    %add3A_83 = arith.constant 0 : i32
    %add3A_84 = arith.addi %add3A_83, %mul3A_82 : i32
    %dma_start3A_85 = arith.constant 0 : i32
    %dma_start3A_86 = tpu.memref_slice %arg9[%dma_start3A_85] : memref<3072xf32, #tpu.memory_space<vmem>> -> memref<192xf32, #tpu.memory_space<vmem>>
    %dma_start3A_87 = tpu.memref_slice %arg10[%add3A_84] : memref<49152xf32, #tpu.memory_space<vmem_shared>> -> memref<192xf32, #tpu.memory_space<vmem_shared>>
    %dma_start3A_88 = arith.constant 0 : i32
    %dma_start3A_89 = tpu.memref_slice %arg9[%dma_start3A_88] : memref<3072xf32, #tpu.memory_space<vmem>> -> memref<192xf32, #tpu.memory_space<vmem>>
    %dma_start3A_90 = tpu.memref_slice %arg10[%add3A_84] : memref<49152xf32, #tpu.memory_space<vmem_shared>> -> memref<192xf32, #tpu.memory_space<vmem_shared>>
    tpu.enqueue_dma source(%dma_start3A_90 : memref<192xf32, #tpu.memory_space<vmem_shared>>) target(%dma_start3A_89 : memref<192xf32, #tpu.memory_space<vmem>>) target_semaphore(%arg11 : memref<!tpu.dma_semaphore, #tpu.memory_space<semaphore_mem>>)
    %mul3A_91 = arith.constant 192 : i32
    %mul3A_92 = arith.muli %arg1, %mul3A_91 : i32
    %add3A_93 = arith.constant 3072 : i32
    %add3A_94 = arith.addi %add3A_93, %mul3A_92 : i32
    %dma_start3A_95 = arith.constant 192 : i32
    %dma_start3A_96 = tpu.memref_slice %arg9[%dma_start3A_95] : memref<3072xf32, #tpu.memory_space<vmem>> -> memref<192xf32, #tpu.memory_space<vmem>>
    %dma_start3A_97 = tpu.memref_slice %arg10[%add3A_94] : memref<49152xf32, #tpu.memory_space<vmem_shared>> -> memref<192xf32, #tpu.memory_space<vmem_shared>>
    %dma_start3A_98 = arith.constant 192 : i32
    %dma_start3A_99 = tpu.memref_slice %arg9[%dma_start3A_98] : memref<3072xf32, #tpu.memory_space<vmem>> -> memref<192xf32, #tpu.memory_space<vmem>>
    %dma_start3A_100 = tpu.memref_slice %arg10[%add3A_94] : memref<49152xf32, #tpu.memory_space<vmem_shared>> -> memref<192xf32, #tpu.memory_space<vmem_shared>>
    tpu.enqueue_dma source(%dma_start3A_100 : memref<192xf32, #tpu.memory_space<vmem_shared>>) target(%dma_start3A_99 : memref<192xf32, #tpu.memory_space<vmem>>) target_semaphore(%arg11 : memref<!tpu.dma_semaphore, #tpu.memory_space<semaphore_mem>>)
    %mul3A_101 = arith.constant 192 : i32
    %mul3A_102 = arith.muli %arg1, %mul3A_101 : i32
    %add3A_103 = arith.constant 6144 : i32
    %add3A_104 = arith.addi %add3A_103, %mul3A_102 : i32
    %dma_start3A_105 = arith.constant 384 : i32
    %dma_start3A_106 = tpu.memref_slice %arg9[%dma_start3A_105] : memref<3072xf32, #tpu.memory_space<vmem>> -> memref<192xf32, #tpu.memory_space<vmem>>
    %dma_start3A_107 = tpu.memref_slice %arg10[%add3A_104] : memref<49152xf32, #tpu.memory_space<vmem_shared>> -> memref<192xf32, #tpu.memory_space<vmem_shared>>
    %dma_start3A_108 = arith.constant 384 : i32
    %dma_start3A_109 = tpu.memref_slice %arg9[%dma_start3A_108] : memref<3072xf32, #tpu.memory_space<vmem>> -> memref<192xf32, #tpu.memory_space<vmem>>
    %dma_start3A_110 = tpu.memref_slice %arg10[%add3A_104] : memref<49152xf32, #tpu.memory_space<vmem_shared>> -> memref<192xf32, #tpu.memory_space<vmem_shared>>
    tpu.enqueue_dma source(%dma_start3A_110 : memref<192xf32, #tpu.memory_space<vmem_shared>>) target(%dma_start3A_109 : memref<192xf32, #tpu.memory_space<vmem>>) target_semaphore(%arg11 : memref<!tpu.dma_semaphore, #tpu.memory_space<semaphore_mem>>)
    %mul3A_111 = arith.constant 192 : i32
    %mul3A_112 = arith.muli %arg1, %mul3A_111 : i32
    %add3A_113 = arith.constant 9216 : i32
    %add3A_114 = arith.addi %add3A_113, %mul3A_112 : i32
    %dma_start3A_115 = arith.constant 576 : i32
    %dma_start3A_116 = tpu.memref_slice %arg9[%dma_start3A_115] : memref<3072xf32, #tpu.memory_space<vmem>> -> memref<192xf32, #tpu.memory_space<vmem>>
    %dma_start3A_117 = tpu.memref_slice %arg10[%add3A_114] : memref<49152xf32, #tpu.memory_space<vmem_shared>> -> memref<192xf32, #tpu.memory_space<vmem_shared>>
    %dma_start3A_118 = arith.constant 576 : i32
    %dma_start3A_119 = tpu.memref_slice %arg9[%dma_start3A_118] : memref<3072xf32, #tpu.memory_space<vmem>> -> memref<192xf32, #tpu.memory_space<vmem>>
    %dma_start3A_120 = tpu.memref_slice %arg10[%add3A_114] : memref<49152xf32, #tpu.memory_space<vmem_shared>> -> memref<192xf32, #tpu.memory_space<vmem_shared>>
    tpu.enqueue_dma source(%dma_start3A_120 : memref<192xf32, #tpu.memory_space<vmem_shared>>) target(%dma_start3A_119 : memref<192xf32, #tpu.memory_space<vmem>>) target_semaphore(%arg11 : memref<!tpu.dma_semaphore, #tpu.memory_space<semaphore_mem>>)
    %mul3A_121 = arith.constant 192 : i32
    %mul3A_122 = arith.muli %arg1, %mul3A_121 : i32
    %add3A_123 = arith.constant 12288 : i32
    %add3A_124 = arith.addi %add3A_123, %mul3A_122 : i32
    %dma_start3A_125 = arith.constant 768 : i32
    %dma_start3A_126 = tpu.memref_slice %arg9[%dma_start3A_125] : memref<3072xf32, #tpu.memory_space<vmem>> -> memref<192xf32, #tpu.memory_space<vmem>>
    %dma_start3A_127 = tpu.memref_slice %arg10[%add3A_124] : memref<49152xf32, #tpu.memory_space<vmem_shared>> -> memref<192xf32, #tpu.memory_space<vmem_shared>>
    %dma_start3A_128 = arith.constant 768 : i32
    %dma_start3A_129 = tpu.memref_slice %arg9[%dma_start3A_128] : memref<3072xf32, #tpu.memory_space<vmem>> -> memref<192xf32, #tpu.memory_space<vmem>>
    %dma_start3A_130 = tpu.memref_slice %arg10[%add3A_124] : memref<49152xf32, #tpu.memory_space<vmem_shared>> -> memref<192xf32, #tpu.memory_space<vmem_shared>>
    tpu.enqueue_dma source(%dma_start3A_130 : memref<192xf32, #tpu.memory_space<vmem_shared>>) target(%dma_start3A_129 : memref<192xf32, #tpu.memory_space<vmem>>) target_semaphore(%arg11 : memref<!tpu.dma_semaphore, #tpu.memory_space<semaphore_mem>>)
    %mul3A_131 = arith.constant 192 : i32
    %mul3A_132 = arith.muli %arg1, %mul3A_131 : i32
    %add3A_133 = arith.constant 15360 : i32
    %add3A_134 = arith.addi %add3A_133, %mul3A_132 : i32
    %dma_start3A_135 = arith.constant 960 : i32
    %dma_start3A_136 = tpu.memref_slice %arg9[%dma_start3A_135] : memref<3072xf32, #tpu.memory_space<vmem>> -> memref<192xf32, #tpu.memory_space<vmem>>
    %dma_start3A_137 = tpu.memref_slice %arg10[%add3A_134] : memref<49152xf32, #tpu.memory_space<vmem_shared>> -> memref<192xf32, #tpu.memory_space<vmem_shared>>
    %dma_start3A_138 = arith.constant 960 : i32
    %dma_start3A_139 = tpu.memref_slice %arg9[%dma_start3A_138] : memref<3072xf32, #tpu.memory_space<vmem>> -> memref<192xf32, #tpu.memory_space<vmem>>
    %dma_start3A_140 = tpu.memref_slice %arg10[%add3A_134] : memref<49152xf32, #tpu.memory_space<vmem_shared>> -> memref<192xf32, #tpu.memory_space<vmem_shared>>
    tpu.enqueue_dma source(%dma_start3A_140 : memref<192xf32, #tpu.memory_space<vmem_shared>>) target(%dma_start3A_139 : memref<192xf32, #tpu.memory_space<vmem>>) target_semaphore(%arg11 : memref<!tpu.dma_semaphore, #tpu.memory_space<semaphore_mem>>)
    %mul3A_141 = arith.constant 192 : i32
    %mul3A_142 = arith.muli %arg1, %mul3A_141 : i32
    %add3A_143 = arith.constant 18432 : i32
    %add3A_144 = arith.addi %add3A_143, %mul3A_142 : i32
    %dma_start3A_145 = arith.constant 1152 : i32
    %dma_start3A_146 = tpu.memref_slice %arg9[%dma_start3A_145] : memref<3072xf32, #tpu.memory_space<vmem>> -> memref<192xf32, #tpu.memory_space<vmem>>
    %dma_start3A_147 = tpu.memref_slice %arg10[%add3A_144] : memref<49152xf32, #tpu.memory_space<vmem_shared>> -> memref<192xf32, #tpu.memory_space<vmem_shared>>
    %dma_start3A_148 = arith.constant 1152 : i32
    %dma_start3A_149 = tpu.memref_slice %arg9[%dma_start3A_148] : memref<3072xf32, #tpu.memory_space<vmem>> -> memref<192xf32, #tpu.memory_space<vmem>>
    %dma_start3A_150 = tpu.memref_slice %arg10[%add3A_144] : memref<49152xf32, #tpu.memory_space<vmem_shared>> -> memref<192xf32, #tpu.memory_space<vmem_shared>>
    tpu.enqueue_dma source(%dma_start3A_150 : memref<192xf32, #tpu.memory_space<vmem_shared>>) target(%dma_start3A_149 : memref<192xf32, #tpu.memory_space<vmem>>) target_semaphore(%arg11 : memref<!tpu.dma_semaphore, #tpu.memory_space<semaphore_mem>>)
    %mul3A_151 = arith.constant 192 : i32
    %mul3A_152 = arith.muli %arg1, %mul3A_151 : i32
    %add3A_153 = arith.constant 21504 : i32
    %add3A_154 = arith.addi %add3A_153, %mul3A_152 : i32
    %dma_start3A_155 = arith.constant 1344 : i32
    %dma_start3A_156 = tpu.memref_slice %arg9[%dma_start3A_155] : memref<3072xf32, #tpu.memory_space<vmem>> -> memref<192xf32, #tpu.memory_space<vmem>>
    %dma_start3A_157 = tpu.memref_slice %arg10[%add3A_154] : memref<49152xf32, #tpu.memory_space<vmem_shared>> -> memref<192xf32, #tpu.memory_space<vmem_shared>>
    %dma_start3A_158 = arith.constant 1344 : i32
    %dma_start3A_159 = tpu.memref_slice %arg9[%dma_start3A_158] : memref<3072xf32, #tpu.memory_space<vmem>> -> memref<192xf32, #tpu.memory_space<vmem>>
    %dma_start3A_160 = tpu.memref_slice %arg10[%add3A_154] : memref<49152xf32, #tpu.memory_space<vmem_shared>> -> memref<192xf32, #tpu.memory_space<vmem_shared>>
    tpu.enqueue_dma source(%dma_start3A_160 : memref<192xf32, #tpu.memory_space<vmem_shared>>) target(%dma_start3A_159 : memref<192xf32, #tpu.memory_space<vmem>>) target_semaphore(%arg11 : memref<!tpu.dma_semaphore, #tpu.memory_space<semaphore_mem>>)
    %mul3A_161 = arith.constant 192 : i32
    %mul3A_162 = arith.muli %arg1, %mul3A_161 : i32
    %add3A_163 = arith.constant 24576 : i32
    %add3A_164 = arith.addi %add3A_163, %mul3A_162 : i32
    %dma_start3A_165 = arith.constant 1536 : i32
    %dma_start3A_166 = tpu.memref_slice %arg9[%dma_start3A_165] : memref<3072xf32, #tpu.memory_space<vmem>> -> memref<192xf32, #tpu.memory_space<vmem>>
    %dma_start3A_167 = tpu.memref_slice %arg10[%add3A_164] : memref<49152xf32, #tpu.memory_space<vmem_shared>> -> memref<192xf32, #tpu.memory_space<vmem_shared>>
    %dma_start3A_168 = arith.constant 1536 : i32
    %dma_start3A_169 = tpu.memref_slice %arg9[%dma_start3A_168] : memref<3072xf32, #tpu.memory_space<vmem>> -> memref<192xf32, #tpu.memory_space<vmem>>
    %dma_start3A_170 = tpu.memref_slice %arg10[%add3A_164] : memref<49152xf32, #tpu.memory_space<vmem_shared>> -> memref<192xf32, #tpu.memory_space<vmem_shared>>
    tpu.enqueue_dma source(%dma_start3A_170 : memref<192xf32, #tpu.memory_space<vmem_shared>>) target(%dma_start3A_169 : memref<192xf32, #tpu.memory_space<vmem>>) target_semaphore(%arg11 : memref<!tpu.dma_semaphore, #tpu.memory_space<semaphore_mem>>)
    %mul3A_171 = arith.constant 192 : i32
    %mul3A_172 = arith.muli %arg1, %mul3A_171 : i32
    %add3A_173 = arith.constant 27648 : i32
    %add3A_174 = arith.addi %add3A_173, %mul3A_172 : i32
    %dma_start3A_175 = arith.constant 1728 : i32
    %dma_start3A_176 = tpu.memref_slice %arg9[%dma_start3A_175] : memref<3072xf32, #tpu.memory_space<vmem>> -> memref<192xf32, #tpu.memory_space<vmem>>
    %dma_start3A_177 = tpu.memref_slice %arg10[%add3A_174] : memref<49152xf32, #tpu.memory_space<vmem_shared>> -> memref<192xf32, #tpu.memory_space<vmem_shared>>
    %dma_start3A_178 = arith.constant 1728 : i32
    %dma_start3A_179 = tpu.memref_slice %arg9[%dma_start3A_178] : memref<3072xf32, #tpu.memory_space<vmem>> -> memref<192xf32, #tpu.memory_space<vmem>>
    %dma_start3A_180 = tpu.memref_slice %arg10[%add3A_174] : memref<49152xf32, #tpu.memory_space<vmem_shared>> -> memref<192xf32, #tpu.memory_space<vmem_shared>>
    tpu.enqueue_dma source(%dma_start3A_180 : memref<192xf32, #tpu.memory_space<vmem_shared>>) target(%dma_start3A_179 : memref<192xf32, #tpu.memory_space<vmem>>) target_semaphore(%arg11 : memref<!tpu.dma_semaphore, #tpu.memory_space<semaphore_mem>>)
    %mul3A_181 = arith.constant 192 : i32
    %mul3A_182 = arith.muli %arg1, %mul3A_181 : i32
    %add3A_183 = arith.constant 30720 : i32
    %add3A_184 = arith.addi %add3A_183, %mul3A_182 : i32
    %dma_start3A_185 = arith.constant 1920 : i32
    %dma_start3A_186 = tpu.memref_slice %arg9[%dma_start3A_185] : memref<3072xf32, #tpu.memory_space<vmem>> -> memref<192xf32, #tpu.memory_space<vmem>>
    %dma_start3A_187 = tpu.memref_slice %arg10[%add3A_184] : memref<49152xf32, #tpu.memory_space<vmem_shared>> -> memref<192xf32, #tpu.memory_space<vmem_shared>>
    %dma_start3A_188 = arith.constant 1920 : i32
    %dma_start3A_189 = tpu.memref_slice %arg9[%dma_start3A_188] : memref<3072xf32, #tpu.memory_space<vmem>> -> memref<192xf32, #tpu.memory_space<vmem>>
    %dma_start3A_190 = tpu.memref_slice %arg10[%add3A_184] : memref<49152xf32, #tpu.memory_space<vmem_shared>> -> memref<192xf32, #tpu.memory_space<vmem_shared>>
    tpu.enqueue_dma source(%dma_start3A_190 : memref<192xf32, #tpu.memory_space<vmem_shared>>) target(%dma_start3A_189 : memref<192xf32, #tpu.memory_space<vmem>>) target_semaphore(%arg11 : memref<!tpu.dma_semaphore, #tpu.memory_space<semaphore_mem>>)
    %mul3A_191 = arith.constant 192 : i32
    %mul3A_192 = arith.muli %arg1, %mul3A_191 : i32
    %add3A_193 = arith.constant 33792 : i32
    %add3A_194 = arith.addi %add3A_193, %mul3A_192 : i32
    %dma_start3A_195 = arith.constant 2112 : i32
    %dma_start3A_196 = tpu.memref_slice %arg9[%dma_start3A_195] : memref<3072xf32, #tpu.memory_space<vmem>> -> memref<192xf32, #tpu.memory_space<vmem>>
    %dma_start3A_197 = tpu.memref_slice %arg10[%add3A_194] : memref<49152xf32, #tpu.memory_space<vmem_shared>> -> memref<192xf32, #tpu.memory_space<vmem_shared>>
    %dma_start3A_198 = arith.constant 2112 : i32
    %dma_start3A_199 = tpu.memref_slice %arg9[%dma_start3A_198] : memref<3072xf32, #tpu.memory_space<vmem>> -> memref<192xf32, #tpu.memory_space<vmem>>
    %dma_start3A_200 = tpu.memref_slice %arg10[%add3A_194] : memref<49152xf32, #tpu.memory_space<vmem_shared>> -> memref<192xf32, #tpu.memory_space<vmem_shared>>
    tpu.enqueue_dma source(%dma_start3A_200 : memref<192xf32, #tpu.memory_space<vmem_shared>>) target(%dma_start3A_199 : memref<192xf32, #tpu.memory_space<vmem>>) target_semaphore(%arg11 : memref<!tpu.dma_semaphore, #tpu.memory_space<semaphore_mem>>)
    %mul3A_201 = arith.constant 192 : i32
    %mul3A_202 = arith.muli %arg1, %mul3A_201 : i32
    %add3A_203 = arith.constant 36864 : i32
    %add3A_204 = arith.addi %add3A_203, %mul3A_202 : i32
    %dma_start3A_205 = arith.constant 2304 : i32
    %dma_start3A_206 = tpu.memref_slice %arg9[%dma_start3A_205] : memref<3072xf32, #tpu.memory_space<vmem>> -> memref<192xf32, #tpu.memory_space<vmem>>
    %dma_start3A_207 = tpu.memref_slice %arg10[%add3A_204] : memref<49152xf32, #tpu.memory_space<vmem_shared>> -> memref<192xf32, #tpu.memory_space<vmem_shared>>
    %dma_start3A_208 = arith.constant 2304 : i32
    %dma_start3A_209 = tpu.memref_slice %arg9[%dma_start3A_208] : memref<3072xf32, #tpu.memory_space<vmem>> -> memref<192xf32, #tpu.memory_space<vmem>>
    %dma_start3A_210 = tpu.memref_slice %arg10[%add3A_204] : memref<49152xf32, #tpu.memory_space<vmem_shared>> -> memref<192xf32, #tpu.memory_space<vmem_shared>>
    tpu.enqueue_dma source(%dma_start3A_210 : memref<192xf32, #tpu.memory_space<vmem_shared>>) target(%dma_start3A_209 : memref<192xf32, #tpu.memory_space<vmem>>) target_semaphore(%arg11 : memref<!tpu.dma_semaphore, #tpu.memory_space<semaphore_mem>>)
    %mul3A_211 = arith.constant 192 : i32
    %mul3A_212 = arith.muli %arg1, %mul3A_211 : i32
    %add3A_213 = arith.constant 39936 : i32
    %add3A_214 = arith.addi %add3A_213, %mul3A_212 : i32
    %dma_start3A_215 = arith.constant 2496 : i32
    %dma_start3A_216 = tpu.memref_slice %arg9[%dma_start3A_215] : memref<3072xf32, #tpu.memory_space<vmem>> -> memref<192xf32, #tpu.memory_space<vmem>>
    %dma_start3A_217 = tpu.memref_slice %arg10[%add3A_214] : memref<49152xf32, #tpu.memory_space<vmem_shared>> -> memref<192xf32, #tpu.memory_space<vmem_shared>>
    %dma_start3A_218 = arith.constant 2496 : i32
    %dma_start3A_219 = tpu.memref_slice %arg9[%dma_start3A_218] : memref<3072xf32, #tpu.memory_space<vmem>> -> memref<192xf32, #tpu.memory_space<vmem>>
    %dma_start3A_220 = tpu.memref_slice %arg10[%add3A_214] : memref<49152xf32, #tpu.memory_space<vmem_shared>> -> memref<192xf32, #tpu.memory_space<vmem_shared>>
    tpu.enqueue_dma source(%dma_start3A_220 : memref<192xf32, #tpu.memory_space<vmem_shared>>) target(%dma_start3A_219 : memref<192xf32, #tpu.memory_space<vmem>>) target_semaphore(%arg11 : memref<!tpu.dma_semaphore, #tpu.memory_space<semaphore_mem>>)
    %mul3A_221 = arith.constant 192 : i32
    %mul3A_222 = arith.muli %arg1, %mul3A_221 : i32
    %add3A_223 = arith.constant 43008 : i32
    %add3A_224 = arith.addi %add3A_223, %mul3A_222 : i32
    %dma_start3A_225 = arith.constant 2688 : i32
    %dma_start3A_226 = tpu.memref_slice %arg9[%dma_start3A_225] : memref<3072xf32, #tpu.memory_space<vmem>> -> memref<192xf32, #tpu.memory_space<vmem>>
    %dma_start3A_227 = tpu.memref_slice %arg10[%add3A_224] : memref<49152xf32, #tpu.memory_space<vmem_shared>> -> memref<192xf32, #tpu.memory_space<vmem_shared>>
    %dma_start3A_228 = arith.constant 2688 : i32
    %dma_start3A_229 = tpu.memref_slice %arg9[%dma_start3A_228] : memref<3072xf32, #tpu.memory_space<vmem>> -> memref<192xf32, #tpu.memory_space<vmem>>
    %dma_start3A_230 = tpu.memref_slice %arg10[%add3A_224] : memref<49152xf32, #tpu.memory_space<vmem_shared>> -> memref<192xf32, #tpu.memory_space<vmem_shared>>
    tpu.enqueue_dma source(%dma_start3A_230 : memref<192xf32, #tpu.memory_space<vmem_shared>>) target(%dma_start3A_229 : memref<192xf32, #tpu.memory_space<vmem>>) target_semaphore(%arg11 : memref<!tpu.dma_semaphore, #tpu.memory_space<semaphore_mem>>)
    %mul3A_231 = arith.constant 192 : i32
    %mul3A_232 = arith.muli %arg1, %mul3A_231 : i32
    %add3A_233 = arith.constant 46080 : i32
    %add3A_234 = arith.addi %add3A_233, %mul3A_232 : i32
    %dma_start3A_235 = arith.constant 2880 : i32
    %dma_start3A_236 = tpu.memref_slice %arg9[%dma_start3A_235] : memref<3072xf32, #tpu.memory_space<vmem>> -> memref<192xf32, #tpu.memory_space<vmem>>
    %dma_start3A_237 = tpu.memref_slice %arg10[%add3A_234] : memref<49152xf32, #tpu.memory_space<vmem_shared>> -> memref<192xf32, #tpu.memory_space<vmem_shared>>
    %dma_start3A_238 = arith.constant 2880 : i32
    %dma_start3A_239 = tpu.memref_slice %arg9[%dma_start3A_238] : memref<3072xf32, #tpu.memory_space<vmem>> -> memref<192xf32, #tpu.memory_space<vmem>>
    %dma_start3A_240 = tpu.memref_slice %arg10[%add3A_234] : memref<49152xf32, #tpu.memory_space<vmem_shared>> -> memref<192xf32, #tpu.memory_space<vmem_shared>>
    tpu.enqueue_dma source(%dma_start3A_240 : memref<192xf32, #tpu.memory_space<vmem_shared>>) target(%dma_start3A_239 : memref<192xf32, #tpu.memory_space<vmem>>) target_semaphore(%arg11 : memref<!tpu.dma_semaphore, #tpu.memory_space<semaphore_mem>>)
    %dma_wait3A_241 = arith.constant 0 : i32
    %dma_wait3A_242 = tpu.memref_slice %arg9[%dma_wait3A_241] : memref<3072xf32, #tpu.memory_space<vmem>> -> memref<192xf32, #tpu.memory_space<vmem>>
    %dma_wait3A_243 = tpu.memref_slice %arg10[%add3A_84] : memref<49152xf32, #tpu.memory_space<vmem_shared>> -> memref<192xf32, #tpu.memory_space<vmem_shared>>
    %dma_wait3A_244 = arith.constant 0 : i32
    %dma_wait3A_245 = tpu.memref_slice %arg9[%dma_wait3A_244] : memref<3072xf32, #tpu.memory_space<vmem>> -> memref<192xf32, #tpu.memory_space<vmem>>
    %dma_wait3A_246 = tpu.memref_slice %arg10[%add3A_84] : memref<49152xf32, #tpu.memory_space<vmem_shared>> -> memref<192xf32, #tpu.memory_space<vmem_shared>>
    tpu.wait_dma2 semaphore(%arg11 : memref<!tpu.dma_semaphore, #tpu.memory_space<semaphore_mem>>) src(%dma_wait3A_246 : memref<192xf32, #tpu.memory_space<vmem_shared>>) dst(%dma_wait3A_245 : memref<192xf32, #tpu.memory_space<vmem>>)
    %dma_wait3A_247 = arith.constant 192 : i32
    %dma_wait3A_248 = tpu.memref_slice %arg9[%dma_wait3A_247] : memref<3072xf32, #tpu.memory_space<vmem>> -> memref<192xf32, #tpu.memory_space<vmem>>
    %dma_wait3A_249 = tpu.memref_slice %arg10[%add3A_94] : memref<49152xf32, #tpu.memory_space<vmem_shared>> -> memref<192xf32, #tpu.memory_space<vmem_shared>>
    %dma_wait3A_250 = arith.constant 192 : i32
    %dma_wait3A_251 = tpu.memref_slice %arg9[%dma_wait3A_250] : memref<3072xf32, #tpu.memory_space<vmem>> -> memref<192xf32, #tpu.memory_space<vmem>>
    %dma_wait3A_252 = tpu.memref_slice %arg10[%add3A_94] : memref<49152xf32, #tpu.memory_space<vmem_shared>> -> memref<192xf32, #tpu.memory_space<vmem_shared>>
    tpu.wait_dma2 semaphore(%arg11 : memref<!tpu.dma_semaphore, #tpu.memory_space<semaphore_mem>>) src(%dma_wait3A_252 : memref<192xf32, #tpu.memory_space<vmem_shared>>) dst(%dma_wait3A_251 : memref<192xf32, #tpu.memory_space<vmem>>)
    %dma_wait3A_253 = arith.constant 384 : i32
    %dma_wait3A_254 = tpu.memref_slice %arg9[%dma_wait3A_253] : memref<3072xf32, #tpu.memory_space<vmem>> -> memref<192xf32, #tpu.memory_space<vmem>>
    %dma_wait3A_255 = tpu.memref_slice %arg10[%add3A_104] : memref<49152xf32, #tpu.memory_space<vmem_shared>> -> memref<192xf32, #tpu.memory_space<vmem_shared>>
    %dma_wait3A_256 = arith.constant 384 : i32
    %dma_wait3A_257 = tpu.memref_slice %arg9[%dma_wait3A_256] : memref<3072xf32, #tpu.memory_space<vmem>> -> memref<192xf32, #tpu.memory_space<vmem>>
    %dma_wait3A_258 = tpu.memref_slice %arg10[%add3A_104] : memref<49152xf32, #tpu.memory_space<vmem_shared>> -> memref<192xf32, #tpu.memory_space<vmem_shared>>
    tpu.wait_dma2 semaphore(%arg11 : memref<!tpu.dma_semaphore, #tpu.memory_space<semaphore_mem>>) src(%dma_wait3A_258 : memref<192xf32, #tpu.memory_space<vmem_shared>>) dst(%dma_wait3A_257 : memref<192xf32, #tpu.memory_space<vmem>>)
    %dma_wait3A_259 = arith.constant 576 : i32
    %dma_wait3A_260 = tpu.memref_slice %arg9[%dma_wait3A_259] : memref<3072xf32, #tpu.memory_space<vmem>> -> memref<192xf32, #tpu.memory_space<vmem>>
    %dma_wait3A_261 = tpu.memref_slice %arg10[%add3A_114] : memref<49152xf32, #tpu.memory_space<vmem_shared>> -> memref<192xf32, #tpu.memory_space<vmem_shared>>
    %dma_wait3A_262 = arith.constant 576 : i32
    %dma_wait3A_263 = tpu.memref_slice %arg9[%dma_wait3A_262] : memref<3072xf32, #tpu.memory_space<vmem>> -> memref<192xf32, #tpu.memory_space<vmem>>
    %dma_wait3A_264 = tpu.memref_slice %arg10[%add3A_114] : memref<49152xf32, #tpu.memory_space<vmem_shared>> -> memref<192xf32, #tpu.memory_space<vmem_shared>>
    tpu.wait_dma2 semaphore(%arg11 : memref<!tpu.dma_semaphore, #tpu.memory_space<semaphore_mem>>) src(%dma_wait3A_264 : memref<192xf32, #tpu.memory_space<vmem_shared>>) dst(%dma_wait3A_263 : memref<192xf32, #tpu.memory_space<vmem>>)
    %dma_wait3A_265 = arith.constant 768 : i32
    %dma_wait3A_266 = tpu.memref_slice %arg9[%dma_wait3A_265] : memref<3072xf32, #tpu.memory_space<vmem>> -> memref<192xf32, #tpu.memory_space<vmem>>
    %dma_wait3A_267 = tpu.memref_slice %arg10[%add3A_124] : memref<49152xf32, #tpu.memory_space<vmem_shared>> -> memref<192xf32, #tpu.memory_space<vmem_shared>>
    %dma_wait3A_268 = arith.constant 768 : i32
    %dma_wait3A_269 = tpu.memref_slice %arg9[%dma_wait3A_268] : memref<3072xf32, #tpu.memory_space<vmem>> -> memref<192xf32, #tpu.memory_space<vmem>>
    %dma_wait3A_270 = tpu.memref_slice %arg10[%add3A_124] : memref<49152xf32, #tpu.memory_space<vmem_shared>> -> memref<192xf32, #tpu.memory_space<vmem_shared>>
    tpu.wait_dma2 semaphore(%arg11 : memref<!tpu.dma_semaphore, #tpu.memory_space<semaphore_mem>>) src(%dma_wait3A_270 : memref<192xf32, #tpu.memory_space<vmem_shared>>) dst(%dma_wait3A_269 : memref<192xf32, #tpu.memory_space<vmem>>)
    %dma_wait3A_271 = arith.constant 960 : i32
    %dma_wait3A_272 = tpu.memref_slice %arg9[%dma_wait3A_271] : memref<3072xf32, #tpu.memory_space<vmem>> -> memref<192xf32, #tpu.memory_space<vmem>>
    %dma_wait3A_273 = tpu.memref_slice %arg10[%add3A_134] : memref<49152xf32, #tpu.memory_space<vmem_shared>> -> memref<192xf32, #tpu.memory_space<vmem_shared>>
    %dma_wait3A_274 = arith.constant 960 : i32
    %dma_wait3A_275 = tpu.memref_slice %arg9[%dma_wait3A_274] : memref<3072xf32, #tpu.memory_space<vmem>> -> memref<192xf32, #tpu.memory_space<vmem>>
    %dma_wait3A_276 = tpu.memref_slice %arg10[%add3A_134] : memref<49152xf32, #tpu.memory_space<vmem_shared>> -> memref<192xf32, #tpu.memory_space<vmem_shared>>
    tpu.wait_dma2 semaphore(%arg11 : memref<!tpu.dma_semaphore, #tpu.memory_space<semaphore_mem>>) src(%dma_wait3A_276 : memref<192xf32, #tpu.memory_space<vmem_shared>>) dst(%dma_wait3A_275 : memref<192xf32, #tpu.memory_space<vmem>>)
    %dma_wait3A_277 = arith.constant 1152 : i32
    %dma_wait3A_278 = tpu.memref_slice %arg9[%dma_wait3A_277] : memref<3072xf32, #tpu.memory_space<vmem>> -> memref<192xf32, #tpu.memory_space<vmem>>
    %dma_wait3A_279 = tpu.memref_slice %arg10[%add3A_144] : memref<49152xf32, #tpu.memory_space<vmem_shared>> -> memref<192xf32, #tpu.memory_space<vmem_shared>>
    %dma_wait3A_280 = arith.constant 1152 : i32
    %dma_wait3A_281 = tpu.memref_slice %arg9[%dma_wait3A_280] : memref<3072xf32, #tpu.memory_space<vmem>> -> memref<192xf32, #tpu.memory_space<vmem>>
    %dma_wait3A_282 = tpu.memref_slice %arg10[%add3A_144] : memref<49152xf32, #tpu.memory_space<vmem_shared>> -> memref<192xf32, #tpu.memory_space<vmem_shared>>
    tpu.wait_dma2 semaphore(%arg11 : memref<!tpu.dma_semaphore, #tpu.memory_space<semaphore_mem>>) src(%dma_wait3A_282 : memref<192xf32, #tpu.memory_space<vmem_shared>>) dst(%dma_wait3A_281 : memref<192xf32, #tpu.memory_space<vmem>>)
    %dma_wait3A_283 = arith.constant 1344 : i32
    %dma_wait3A_284 = tpu.memref_slice %arg9[%dma_wait3A_283] : memref<3072xf32, #tpu.memory_space<vmem>> -> memref<192xf32, #tpu.memory_space<vmem>>
    %dma_wait3A_285 = tpu.memref_slice %arg10[%add3A_154] : memref<49152xf32, #tpu.memory_space<vmem_shared>> -> memref<192xf32, #tpu.memory_space<vmem_shared>>
    %dma_wait3A_286 = arith.constant 1344 : i32
    %dma_wait3A_287 = tpu.memref_slice %arg9[%dma_wait3A_286] : memref<3072xf32, #tpu.memory_space<vmem>> -> memref<192xf32, #tpu.memory_space<vmem>>
    %dma_wait3A_288 = tpu.memref_slice %arg10[%add3A_154] : memref<49152xf32, #tpu.memory_space<vmem_shared>> -> memref<192xf32, #tpu.memory_space<vmem_shared>>
    tpu.wait_dma2 semaphore(%arg11 : memref<!tpu.dma_semaphore, #tpu.memory_space<semaphore_mem>>) src(%dma_wait3A_288 : memref<192xf32, #tpu.memory_space<vmem_shared>>) dst(%dma_wait3A_287 : memref<192xf32, #tpu.memory_space<vmem>>)
    %dma_wait3A_289 = arith.constant 1536 : i32
    %dma_wait3A_290 = tpu.memref_slice %arg9[%dma_wait3A_289] : memref<3072xf32, #tpu.memory_space<vmem>> -> memref<192xf32, #tpu.memory_space<vmem>>
    %dma_wait3A_291 = tpu.memref_slice %arg10[%add3A_164] : memref<49152xf32, #tpu.memory_space<vmem_shared>> -> memref<192xf32, #tpu.memory_space<vmem_shared>>
    %dma_wait3A_292 = arith.constant 1536 : i32
    %dma_wait3A_293 = tpu.memref_slice %arg9[%dma_wait3A_292] : memref<3072xf32, #tpu.memory_space<vmem>> -> memref<192xf32, #tpu.memory_space<vmem>>
    %dma_wait3A_294 = tpu.memref_slice %arg10[%add3A_164] : memref<49152xf32, #tpu.memory_space<vmem_shared>> -> memref<192xf32, #tpu.memory_space<vmem_shared>>
    tpu.wait_dma2 semaphore(%arg11 : memref<!tpu.dma_semaphore, #tpu.memory_space<semaphore_mem>>) src(%dma_wait3A_294 : memref<192xf32, #tpu.memory_space<vmem_shared>>) dst(%dma_wait3A_293 : memref<192xf32, #tpu.memory_space<vmem>>)
    %dma_wait3A_295 = arith.constant 1728 : i32
    %dma_wait3A_296 = tpu.memref_slice %arg9[%dma_wait3A_295] : memref<3072xf32, #tpu.memory_space<vmem>> -> memref<192xf32, #tpu.memory_space<vmem>>
    %dma_wait3A_297 = tpu.memref_slice %arg10[%add3A_174] : memref<49152xf32, #tpu.memory_space<vmem_shared>> -> memref<192xf32, #tpu.memory_space<vmem_shared>>
    %dma_wait3A_298 = arith.constant 1728 : i32
    %dma_wait3A_299 = tpu.memref_slice %arg9[%dma_wait3A_298] : memref<3072xf32, #tpu.memory_space<vmem>> -> memref<192xf32, #tpu.memory_space<vmem>>
    %dma_wait3A_300 = tpu.memref_slice %arg10[%add3A_174] : memref<49152xf32, #tpu.memory_space<vmem_shared>> -> memref<192xf32, #tpu.memory_space<vmem_shared>>
    tpu.wait_dma2 semaphore(%arg11 : memref<!tpu.dma_semaphore, #tpu.memory_space<semaphore_mem>>) src(%dma_wait3A_300 : memref<192xf32, #tpu.memory_space<vmem_shared>>) dst(%dma_wait3A_299 : memref<192xf32, #tpu.memory_space<vmem>>)
    %dma_wait3A_301 = arith.constant 1920 : i32
    %dma_wait3A_302 = tpu.memref_slice %arg9[%dma_wait3A_301] : memref<3072xf32, #tpu.memory_space<vmem>> -> memref<192xf32, #tpu.memory_space<vmem>>
    %dma_wait3A_303 = tpu.memref_slice %arg10[%add3A_184] : memref<49152xf32, #tpu.memory_space<vmem_shared>> -> memref<192xf32, #tpu.memory_space<vmem_shared>>
    %dma_wait3A_304 = arith.constant 1920 : i32
    %dma_wait3A_305 = tpu.memref_slice %arg9[%dma_wait3A_304] : memref<3072xf32, #tpu.memory_space<vmem>> -> memref<192xf32, #tpu.memory_space<vmem>>
    %dma_wait3A_306 = tpu.memref_slice %arg10[%add3A_184] : memref<49152xf32, #tpu.memory_space<vmem_shared>> -> memref<192xf32, #tpu.memory_space<vmem_shared>>
    tpu.wait_dma2 semaphore(%arg11 : memref<!tpu.dma_semaphore, #tpu.memory_space<semaphore_mem>>) src(%dma_wait3A_306 : memref<192xf32, #tpu.memory_space<vmem_shared>>) dst(%dma_wait3A_305 : memref<192xf32, #tpu.memory_space<vmem>>)
    %dma_wait3A_307 = arith.constant 2112 : i32
    %dma_wait3A_308 = tpu.memref_slice %arg9[%dma_wait3A_307] : memref<3072xf32, #tpu.memory_space<vmem>> -> memref<192xf32, #tpu.memory_space<vmem>>
    %dma_wait3A_309 = tpu.memref_slice %arg10[%add3A_194] : memref<49152xf32, #tpu.memory_space<vmem_shared>> -> memref<192xf32, #tpu.memory_space<vmem_shared>>
    %dma_wait3A_310 = arith.constant 2112 : i32
    %dma_wait3A_311 = tpu.memref_slice %arg9[%dma_wait3A_310] : memref<3072xf32, #tpu.memory_space<vmem>> -> memref<192xf32, #tpu.memory_space<vmem>>
    %dma_wait3A_312 = tpu.memref_slice %arg10[%add3A_194] : memref<49152xf32, #tpu.memory_space<vmem_shared>> -> memref<192xf32, #tpu.memory_space<vmem_shared>>
    tpu.wait_dma2 semaphore(%arg11 : memref<!tpu.dma_semaphore, #tpu.memory_space<semaphore_mem>>) src(%dma_wait3A_312 : memref<192xf32, #tpu.memory_space<vmem_shared>>) dst(%dma_wait3A_311 : memref<192xf32, #tpu.memory_space<vmem>>)
    %dma_wait3A_313 = arith.constant 2304 : i32
    %dma_wait3A_314 = tpu.memref_slice %arg9[%dma_wait3A_313] : memref<3072xf32, #tpu.memory_space<vmem>> -> memref<192xf32, #tpu.memory_space<vmem>>
    %dma_wait3A_315 = tpu.memref_slice %arg10[%add3A_204] : memref<49152xf32, #tpu.memory_space<vmem_shared>> -> memref<192xf32, #tpu.memory_space<vmem_shared>>
    %dma_wait3A_316 = arith.constant 2304 : i32
    %dma_wait3A_317 = tpu.memref_slice %arg9[%dma_wait3A_316] : memref<3072xf32, #tpu.memory_space<vmem>> -> memref<192xf32, #tpu.memory_space<vmem>>
    %dma_wait3A_318 = tpu.memref_slice %arg10[%add3A_204] : memref<49152xf32, #tpu.memory_space<vmem_shared>> -> memref<192xf32, #tpu.memory_space<vmem_shared>>
    tpu.wait_dma2 semaphore(%arg11 : memref<!tpu.dma_semaphore, #tpu.memory_space<semaphore_mem>>) src(%dma_wait3A_318 : memref<192xf32, #tpu.memory_space<vmem_shared>>) dst(%dma_wait3A_317 : memref<192xf32, #tpu.memory_space<vmem>>)
    %dma_wait3A_319 = arith.constant 2496 : i32
    %dma_wait3A_320 = tpu.memref_slice %arg9[%dma_wait3A_319] : memref<3072xf32, #tpu.memory_space<vmem>> -> memref<192xf32, #tpu.memory_space<vmem>>
    %dma_wait3A_321 = tpu.memref_slice %arg10[%add3A_214] : memref<49152xf32, #tpu.memory_space<vmem_shared>> -> memref<192xf32, #tpu.memory_space<vmem_shared>>
    %dma_wait3A_322 = arith.constant 2496 : i32
    %dma_wait3A_323 = tpu.memref_slice %arg9[%dma_wait3A_322] : memref<3072xf32, #tpu.memory_space<vmem>> -> memref<192xf32, #tpu.memory_space<vmem>>
    %dma_wait3A_324 = tpu.memref_slice %arg10[%add3A_214] : memref<49152xf32, #tpu.memory_space<vmem_shared>> -> memref<192xf32, #tpu.memory_space<vmem_shared>>
    tpu.wait_dma2 semaphore(%arg11 : memref<!tpu.dma_semaphore, #tpu.memory_space<semaphore_mem>>) src(%dma_wait3A_324 : memref<192xf32, #tpu.memory_space<vmem_shared>>) dst(%dma_wait3A_323 : memref<192xf32, #tpu.memory_space<vmem>>)
    %dma_wait3A_325 = arith.constant 2688 : i32
    %dma_wait3A_326 = tpu.memref_slice %arg9[%dma_wait3A_325] : memref<3072xf32, #tpu.memory_space<vmem>> -> memref<192xf32, #tpu.memory_space<vmem>>
    %dma_wait3A_327 = tpu.memref_slice %arg10[%add3A_224] : memref<49152xf32, #tpu.memory_space<vmem_shared>> -> memref<192xf32, #tpu.memory_space<vmem_shared>>
    %dma_wait3A_328 = arith.constant 2688 : i32
    %dma_wait3A_329 = tpu.memref_slice %arg9[%dma_wait3A_328] : memref<3072xf32, #tpu.memory_space<vmem>> -> memref<192xf32, #tpu.memory_space<vmem>>
    %dma_wait3A_330 = tpu.memref_slice %arg10[%add3A_224] : memref<49152xf32, #tpu.memory_space<vmem_shared>> -> memref<192xf32, #tpu.memory_space<vmem_shared>>
    tpu.wait_dma2 semaphore(%arg11 : memref<!tpu.dma_semaphore, #tpu.memory_space<semaphore_mem>>) src(%dma_wait3A_330 : memref<192xf32, #tpu.memory_space<vmem_shared>>) dst(%dma_wait3A_329 : memref<192xf32, #tpu.memory_space<vmem>>)
    %dma_wait3A_331 = arith.constant 2880 : i32
    %dma_wait3A_332 = tpu.memref_slice %arg9[%dma_wait3A_331] : memref<3072xf32, #tpu.memory_space<vmem>> -> memref<192xf32, #tpu.memory_space<vmem>>
    %dma_wait3A_333 = tpu.memref_slice %arg10[%add3A_234] : memref<49152xf32, #tpu.memory_space<vmem_shared>> -> memref<192xf32, #tpu.memory_space<vmem_shared>>
    %dma_wait3A_334 = arith.constant 2880 : i32
    %dma_wait3A_335 = tpu.memref_slice %arg9[%dma_wait3A_334] : memref<3072xf32, #tpu.memory_space<vmem>> -> memref<192xf32, #tpu.memory_space<vmem>>
    %dma_wait3A_336 = tpu.memref_slice %arg10[%add3A_234] : memref<49152xf32, #tpu.memory_space<vmem_shared>> -> memref<192xf32, #tpu.memory_space<vmem_shared>>
    tpu.wait_dma2 semaphore(%arg11 : memref<!tpu.dma_semaphore, #tpu.memory_space<semaphore_mem>>) src(%dma_wait3A_336 : memref<192xf32, #tpu.memory_space<vmem_shared>>) dst(%dma_wait3A_335 : memref<192xf32, #tpu.memory_space<vmem>>)
    %scan3A_337 = arith.constant 0 : i32
    %scan3A_338 = arith.constant 0 : i32
    %scan3A_339 = arith.constant 12 : i32
    %scan3A_340 = arith.addi %scan3A_338, %scan3A_339 : i32
    %scan3A_341 = arith.constant 1 : i32
    %scan3A_342 = scf.for %scan3A_349 = %scan3A_338 to %scan3A_340 step %scan3A_341 iter_args(%scan3A_350 = %scan3A_337) -> (i32)  : i32 {
      %broadcast_in_dim3A_351 = arith.constant 0.000000e+00 : f32
      %broadcast_in_dim3A_352 = vector.broadcast %broadcast_in_dim3A_351 : f32 to vector<16xf32>
      %scan3A_353 = arith.constant 0 : i32
      %scan3A_354 = arith.constant 16 : i32
      %scan3A_355 = arith.addi %scan3A_353, %scan3A_354 : i32
      %scan3A_356 = arith.constant 1 : i32
      %scan3A_357 = scf.for %scan3A_363 = %scan3A_353 to %scan3A_355 step %scan3A_356 iter_args(%scan3A_364 = %broadcast_in_dim3A_352) -> (vector<16xf32>)  : i32 {
        %mul3A_365 = arith.constant 192 : i32
        %mul3A_366 = arith.muli %scan3A_363, %mul3A_365 : i32
        %mul3A_367 = arith.constant 16 : i32
        %mul3A_368 = arith.muli %scan3A_349, %mul3A_367 : i32
        %add3A_369 = arith.addi %mul3A_366, %mul3A_368 : i32
        %get3A = arith.index_cast %add3A_369 : i32 to index
        %get3A_370 = tpu.vector_load %arg9[%get3A] {strides = array<i32>} : memref<3072xf32, #tpu.memory_space<vmem>>, vector<16xf32>,
        %add3A_371 = arith.addf %scan3A_364, %get3A_370 : vector<16xf32>
        scf.yield %add3A_371 : vector<16xf32>
      }
      %scan3A_358 = arith.constant 16 : i32
      %mul3A_359 = arith.constant 16 : i32
      %mul3A_360 = arith.muli %scan3A_349, %mul3A_359 : i32
      %swap3A = arith.index_cast %mul3A_360 : i32 to index
      %swap3A_361 = tpu.vector_load %arg8[%swap3A] {strides = array<i32>} : memref<192xf32, #tpu.memory_space<vmem>>, vector<16xf32>,
      tpu.vector_store %arg8[%swap3A], %scan3A_357 {strides = array<i32>} : memref<192xf32, #tpu.memory_space<vmem>>, vector<16xf32>,
      %scan3A_362 = arith.constant 0 : i32
      scf.yield %scan3A_362 : i32
    }
    %scan3A_343 = arith.constant 12 : i32
    %mul3A_344 = arith.constant 3072 : i32
    %mul3A_345 = arith.muli %arg0, %mul3A_344 : i32
    %mul3A_346 = arith.constant 192 : i32
    %mul3A_347 = arith.muli %arg1, %mul3A_346 : i32
    %add3A_348 = arith.addi %mul3A_345, %mul3A_347 : i32
    "tpu.region"() ({
      %run_scoped3A = tpu.sem_alloc : memref<!tpu.dma_semaphore, #tpu.memory_space<semaphore_mem>>
      %dma_start3A_349 = tpu.memref_slice %arg4[%add3A_348] : memref<6144xf32, #tpu.memory_space<hbm>> -> memref<192xf32, #tpu.memory_space<hbm>>
      %dma_start3A_350 = tpu.memref_slice %arg4[%add3A_348] : memref<6144xf32, #tpu.memory_space<hbm>> -> memref<192xf32, #tpu.memory_space<hbm>>
      tpu.enqueue_dma source(%arg8 : memref<192xf32, #tpu.memory_space<vmem>>) target(%dma_start3A_350 : memref<192xf32, #tpu.memory_space<hbm>>) target_semaphore(%run_scoped3A : memref<!tpu.dma_semaphore, #tpu.memory_space<semaphore_mem>>)
      %dma_wait3A_351 = tpu.memref_slice %arg4[%add3A_348] : memref<6144xf32, #tpu.memory_space<hbm>> -> memref<192xf32, #tpu.memory_space<hbm>>
      %dma_wait3A_352 = tpu.memref_slice %arg4[%add3A_348] : memref<6144xf32, #tpu.memory_space<hbm>> -> memref<192xf32, #tpu.memory_space<hbm>>
      tpu.wait_dma2 semaphore(%run_scoped3A : memref<!tpu.dma_semaphore, #tpu.memory_space<semaphore_mem>>) src(%arg8 : memref<192xf32, #tpu.memory_space<vmem>>) dst(%dma_wait3A_352 : memref<192xf32, #tpu.memory_space<hbm>>)
      tpu.yield
    }) : () -> ()
    return
  }
}

module attributes {stable_mosaic.version = 14 : i64} {
  func.func @_proj_body(%arg0: i32, %arg1: memref<3x6400x128xf32, #tpu.memory_space<vmem>>, %arg2: memref<1x128xf32, #tpu.memory_space<vmem>>, %arg3: memref<3x6400xf32, #tpu.memory_space<vmem>>) attributes {dimension_semantics = [#tpu.dimension_semantics<arbitrary>], iteration_bounds = array<i64: 12>, scalar_prefetch = 0 : i64, scratch_operands = 0 : i64, tpu.core_type = #tpu.core_type<tc>, window_params = [{transform_indices = @transform_0, window_bounds = array<i64: 3, 6400, 128>}, {pipeline_mode = #tpu.pipeline_mode<synchronous>, transform_indices = @transform_1, window_bounds = array<i64: 1, 128>}, {transform_indices = @transform_2, window_bounds = array<i64: 3, 6400>}]} {
    %get3A = arith.constant 0 : index
    %get3A_0 = arith.constant 0 : index
    %get3A_1 = vector.load %arg2[%get3A, %get3A_0] : memref<1x128xf32, #tpu.memory_space<vmem>>, vector<1x128xf32>
    %get3A_2 = arith.constant 0 : index
    %get3A_3 = arith.constant 0 : index
    %get3A_4 = arith.constant 0 : index
    %get3A_5 = vector.load %arg1[%get3A_2, %get3A_3, %get3A_4] : memref<3x6400x128xf32, #tpu.memory_space<vmem>>, vector<1x6400x128xf32>
    %get3A_6 = vector.shape_cast %get3A_5 : vector<1x6400x128xf32> to vector<6400x128xf32>
    %dot_general3A = arith.constant dense<0.000000e+00> : vector<1x6400xf32>
    %dot_general3A_7 = tpu.matmul %get3A_1, %get3A_6, %dot_general3A {dimension_numbers = #tpu.dot_dimension_numbers<[1], [1], [0], [0], [0, 0, 1, 0], [], []>, transpose_lhs_hint = false} : vector<1x128xf32>, vector<6400x128xf32>, vector<1x6400xf32> -> vector<1x6400xf32>
    %swap3A = arith.constant 0 : index
    %swap3A_8 = arith.constant 0 : index
    %swap3A_9 = vector.load %arg3[%swap3A, %swap3A_8] : memref<3x6400xf32, #tpu.memory_space<vmem>>, vector<1x6400xf32>
    tpu.vector_store %arg3[%swap3A, %swap3A_8], %dot_general3A_7 {strides = array<i32>} : memref<3x6400xf32, #tpu.memory_space<vmem>>, vector<1x6400xf32>,
    %get3A_10 = arith.constant 0 : index
    %get3A_11 = arith.constant 0 : index
    %get3A_12 = vector.load %arg2[%get3A_10, %get3A_11] : memref<1x128xf32, #tpu.memory_space<vmem>>, vector<1x128xf32>
    %get3A_13 = arith.constant 1 : index
    %get3A_14 = arith.constant 0 : index
    %get3A_15 = arith.constant 0 : index
    %get3A_16 = vector.load %arg1[%get3A_13, %get3A_14, %get3A_15] : memref<3x6400x128xf32, #tpu.memory_space<vmem>>, vector<1x6400x128xf32>
    %get3A_17 = vector.shape_cast %get3A_16 : vector<1x6400x128xf32> to vector<6400x128xf32>
    %dot_general3A_18 = arith.constant dense<0.000000e+00> : vector<1x6400xf32>
    %dot_general3A_19 = tpu.matmul %get3A_12, %get3A_17, %dot_general3A_18 {dimension_numbers = #tpu.dot_dimension_numbers<[1], [1], [0], [0], [0, 0, 1, 0], [], []>, transpose_lhs_hint = false} : vector<1x128xf32>, vector<6400x128xf32>, vector<1x6400xf32> -> vector<1x6400xf32>
    %swap3A_20 = arith.constant 1 : index
    %swap3A_21 = arith.constant 0 : index
    %swap3A_22 = vector.load %arg3[%swap3A_20, %swap3A_21] : memref<3x6400xf32, #tpu.memory_space<vmem>>, vector<1x6400xf32>
    tpu.vector_store %arg3[%swap3A_20, %swap3A_21], %dot_general3A_19 {strides = array<i32>} : memref<3x6400xf32, #tpu.memory_space<vmem>>, vector<1x6400xf32>,
    %get3A_23 = arith.constant 0 : index
    %get3A_24 = arith.constant 0 : index
    %get3A_25 = vector.load %arg2[%get3A_23, %get3A_24] : memref<1x128xf32, #tpu.memory_space<vmem>>, vector<1x128xf32>
    %get3A_26 = arith.constant 2 : index
    %get3A_27 = arith.constant 0 : index
    %get3A_28 = arith.constant 0 : index
    %get3A_29 = vector.load %arg1[%get3A_26, %get3A_27, %get3A_28] : memref<3x6400x128xf32, #tpu.memory_space<vmem>>, vector<1x6400x128xf32>
    %get3A_30 = vector.shape_cast %get3A_29 : vector<1x6400x128xf32> to vector<6400x128xf32>
    %dot_general3A_31 = arith.constant dense<0.000000e+00> : vector<1x6400xf32>
    %dot_general3A_32 = tpu.matmul %get3A_25, %get3A_30, %dot_general3A_31 {dimension_numbers = #tpu.dot_dimension_numbers<[1], [1], [0], [0], [0, 0, 1, 0], [], []>, transpose_lhs_hint = false} : vector<1x128xf32>, vector<6400x128xf32>, vector<1x6400xf32> -> vector<1x6400xf32>
    %swap3A_33 = arith.constant 2 : index
    %swap3A_34 = arith.constant 0 : index
    %swap3A_35 = vector.load %arg3[%swap3A_33, %swap3A_34] : memref<3x6400xf32, #tpu.memory_space<vmem>>, vector<1x6400xf32>
    tpu.vector_store %arg3[%swap3A_33, %swap3A_34], %dot_general3A_32 {strides = array<i32>} : memref<3x6400xf32, #tpu.memory_space<vmem>>, vector<1x6400xf32>,
    return
  }
  func.func @transform_0(%arg0: i32) -> (i32, i32, i32) {
    %add3A = arith.constant 0 : i32
    %add3A_0 = arith.addi %arg0, %add3A : i32
    %c0_i32 = arith.constant 0 : i32
    %c0_i32_1 = arith.constant 0 : i32
    %c0_i32_2 = arith.constant 0 : i32
    return %c0_i32, %add3A_0, %c0_i32_1 : i32, i32, i32
  }
  func.func @transform_1(%arg0: i32) -> (i32, i32) {
    %c0_i32 = arith.constant 0 : i32
    %c0_i32_0 = arith.constant 0 : i32
    %c0_i32_1 = arith.constant 0 : i32
    return %c0_i32, %c0_i32_0 : i32, i32
  }
  func.func @transform_2(%arg0: i32) -> (i32, i32) {
    %c0_i32 = arith.constant 0 : i32
    %c0_i32_0 = arith.constant 0 : i32
    return %c0_i32, %arg0 : i32, i32
  }
}

module attributes {stable_mosaic.version = 14 : i64} {
  func.func @_proj_body(%arg0: i32, %arg1: memref<3x6400x128xf32, #tpu.memory_space<vmem>>, %arg2: memref<1x128xf32, #tpu.memory_space<vmem>>, %arg3: memref<3x6400xf32, #tpu.memory_space<vmem>>) attributes {dimension_semantics = [#tpu.dimension_semantics<arbitrary>], iteration_bounds = array<i64: 4>, scalar_prefetch = 0 : i64, scratch_operands = 0 : i64, tpu.core_type = #tpu.core_type<tc>, window_params = [{transform_indices = @transform_0, window_bounds = array<i64: 3, 6400, 128>}, {pipeline_mode = #tpu.pipeline_mode<synchronous>, transform_indices = @transform_1, window_bounds = array<i64: 1, 128>}, {transform_indices = @transform_2, window_bounds = array<i64: 3, 6400>}]} {
    %get3A = arith.constant 0 : index
    %get3A_0 = arith.constant 0 : index
    %get3A_1 = vector.load %arg2[%get3A, %get3A_0] : memref<1x128xf32, #tpu.memory_space<vmem>>, vector<1x128xf32>
    %get3A_2 = arith.constant 0 : index
    %get3A_3 = arith.constant 0 : index
    %get3A_4 = arith.constant 0 : index
    %get3A_5 = vector.load %arg1[%get3A_2, %get3A_3, %get3A_4] : memref<3x6400x128xf32, #tpu.memory_space<vmem>>, vector<1x6400x128xf32>
    %get3A_6 = vector.shape_cast %get3A_5 : vector<1x6400x128xf32> to vector<6400x128xf32>
    %dot_general3A = arith.constant dense<0.000000e+00> : vector<1x6400xf32>
    %dot_general3A_7 = tpu.matmul %get3A_1, %get3A_6, %dot_general3A {dimension_numbers = #tpu.dot_dimension_numbers<[1], [1], [0], [0], [0, 0, 1, 0], [], []>, transpose_lhs_hint = false} : vector<1x128xf32>, vector<6400x128xf32>, vector<1x6400xf32> -> vector<1x6400xf32>
    %lt3A = arith.constant 3 : i32
    %lt3A_8 = arith.cmpi slt, %arg0, %lt3A : i32
    %convert_element_type3A = arith.extui %lt3A_8 : i1 to i32
    %cond3A = arith.constant 0 : i32
    %cond3A_9 = arith.cmpi ne, %convert_element_type3A, %cond3A : i32
    scf.if %cond3A_9 {
      %swap3A = arith.constant 0 : index
      %swap3A_54 = arith.constant 0 : index
      %swap3A_55 = vector.load %arg3[%swap3A, %swap3A_54] : memref<3x6400xf32, #tpu.memory_space<vmem>>, vector<1x6400xf32>
      tpu.vector_store %arg3[%swap3A, %swap3A_54], %dot_general3A_7 {strides = array<i32>} : memref<3x6400xf32, #tpu.memory_space<vmem>>, vector<1x6400xf32>,
    } else {
    }
    %eq3A = arith.constant 3 : i32
    %eq3A_10 = arith.cmpi eq, %arg0, %eq3A : i32
    %convert_element_type3A_11 = arith.extui %eq3A_10 : i1 to i32
    %cond3A_12 = arith.constant 0 : i32
    %cond3A_13 = arith.cmpi ne, %convert_element_type3A_11, %cond3A_12 : i32
    scf.if %cond3A_13 {
      %iota3A = tpu.iota {dimensions = array<i32: 1>} : vector<1x6400xi32>
      %lt3A_54 = arith.constant 4000 : i32
      %lt3A_55 = vector.broadcast %lt3A_54 : i32 to vector<1x6400xi32>
      %lt3A_56 = arith.cmpi slt, %iota3A, %lt3A_55 : vector<1x6400xi32>
      %jit3A = arith.constant 0.000000e+00 : f32
      %broadcast_in_dim3A = vector.broadcast %jit3A : f32 to vector<1x6400xf32>
      %select_n3A = arith.select %lt3A_56, %dot_general3A_7, %broadcast_in_dim3A : vector<1x6400xi1>, vector<1x6400xf32>
      %swap3A = arith.constant 0 : index
      %swap3A_57 = arith.constant 0 : index
      %swap3A_58 = vector.load %arg3[%swap3A, %swap3A_57] : memref<3x6400xf32, #tpu.memory_space<vmem>>, vector<1x6400xf32>
      tpu.vector_store %arg3[%swap3A, %swap3A_57], %select_n3A {strides = array<i32>} : memref<3x6400xf32, #tpu.memory_space<vmem>>, vector<1x6400xf32>,
    } else {
    }
    %get3A_14 = arith.constant 0 : index
    %get3A_15 = arith.constant 0 : index
    %get3A_16 = vector.load %arg2[%get3A_14, %get3A_15] : memref<1x128xf32, #tpu.memory_space<vmem>>, vector<1x128xf32>
    %get3A_17 = arith.constant 1 : index
    %get3A_18 = arith.constant 0 : index
    %get3A_19 = arith.constant 0 : index
    %get3A_20 = vector.load %arg1[%get3A_17, %get3A_18, %get3A_19] : memref<3x6400x128xf32, #tpu.memory_space<vmem>>, vector<1x6400x128xf32>
    %get3A_21 = vector.shape_cast %get3A_20 : vector<1x6400x128xf32> to vector<6400x128xf32>
    %dot_general3A_22 = arith.constant dense<0.000000e+00> : vector<1x6400xf32>
    %dot_general3A_23 = tpu.matmul %get3A_16, %get3A_21, %dot_general3A_22 {dimension_numbers = #tpu.dot_dimension_numbers<[1], [1], [0], [0], [0, 0, 1, 0], [], []>, transpose_lhs_hint = false} : vector<1x128xf32>, vector<6400x128xf32>, vector<1x6400xf32> -> vector<1x6400xf32>
    %lt3A_24 = arith.constant 3 : i32
    %lt3A_25 = arith.cmpi slt, %arg0, %lt3A_24 : i32
    %convert_element_type3A_26 = arith.extui %lt3A_25 : i1 to i32
    %cond3A_27 = arith.constant 0 : i32
    %cond3A_28 = arith.cmpi ne, %convert_element_type3A_26, %cond3A_27 : i32
    scf.if %cond3A_28 {
      %swap3A = arith.constant 1 : index
      %swap3A_54 = arith.constant 0 : index
      %swap3A_55 = vector.load %arg3[%swap3A, %swap3A_54] : memref<3x6400xf32, #tpu.memory_space<vmem>>, vector<1x6400xf32>
      tpu.vector_store %arg3[%swap3A, %swap3A_54], %dot_general3A_23 {strides = array<i32>} : memref<3x6400xf32, #tpu.memory_space<vmem>>, vector<1x6400xf32>,
    } else {
    }
    %eq3A_29 = arith.constant 3 : i32
    %eq3A_30 = arith.cmpi eq, %arg0, %eq3A_29 : i32
    %convert_element_type3A_31 = arith.extui %eq3A_30 : i1 to i32
    %cond3A_32 = arith.constant 0 : i32
    %cond3A_33 = arith.cmpi ne, %convert_element_type3A_31, %cond3A_32 : i32
    scf.if %cond3A_33 {
      %iota3A = tpu.iota {dimensions = array<i32: 1>} : vector<1x6400xi32>
      %lt3A_54 = arith.constant 4000 : i32
      %lt3A_55 = vector.broadcast %lt3A_54 : i32 to vector<1x6400xi32>
      %lt3A_56 = arith.cmpi slt, %iota3A, %lt3A_55 : vector<1x6400xi32>
      %jit3A = arith.constant 0.000000e+00 : f32
      %broadcast_in_dim3A = vector.broadcast %jit3A : f32 to vector<1x6400xf32>
      %select_n3A = arith.select %lt3A_56, %dot_general3A_23, %broadcast_in_dim3A : vector<1x6400xi1>, vector<1x6400xf32>
      %swap3A = arith.constant 1 : index
      %swap3A_57 = arith.constant 0 : index
      %swap3A_58 = vector.load %arg3[%swap3A, %swap3A_57] : memref<3x6400xf32, #tpu.memory_space<vmem>>, vector<1x6400xf32>
      tpu.vector_store %arg3[%swap3A, %swap3A_57], %select_n3A {strides = array<i32>} : memref<3x6400xf32, #tpu.memory_space<vmem>>, vector<1x6400xf32>,
    } else {
    }
    %get3A_34 = arith.constant 0 : index
    %get3A_35 = arith.constant 0 : index
    %get3A_36 = vector.load %arg2[%get3A_34, %get3A_35] : memref<1x128xf32, #tpu.memory_space<vmem>>, vector<1x128xf32>
    %get3A_37 = arith.constant 2 : index
    %get3A_38 = arith.constant 0 : index
    %get3A_39 = arith.constant 0 : index
    %get3A_40 = vector.load %arg1[%get3A_37, %get3A_38, %get3A_39] : memref<3x6400x128xf32, #tpu.memory_space<vmem>>, vector<1x6400x128xf32>
    %get3A_41 = vector.shape_cast %get3A_40 : vector<1x6400x128xf32> to vector<6400x128xf32>
    %dot_general3A_42 = arith.constant dense<0.000000e+00> : vector<1x6400xf32>
    %dot_general3A_43 = tpu.matmul %get3A_36, %get3A_41, %dot_general3A_42 {dimension_numbers = #tpu.dot_dimension_numbers<[1], [1], [0], [0], [0, 0, 1, 0], [], []>, transpose_lhs_hint = false} : vector<1x128xf32>, vector<6400x128xf32>, vector<1x6400xf32> -> vector<1x6400xf32>
    %lt3A_44 = arith.constant 3 : i32
    %lt3A_45 = arith.cmpi slt, %arg0, %lt3A_44 : i32
    %convert_element_type3A_46 = arith.extui %lt3A_45 : i1 to i32
    %cond3A_47 = arith.constant 0 : i32
    %cond3A_48 = arith.cmpi ne, %convert_element_type3A_46, %cond3A_47 : i32
    scf.if %cond3A_48 {
      %swap3A = arith.constant 2 : index
      %swap3A_54 = arith.constant 0 : index
      %swap3A_55 = vector.load %arg3[%swap3A, %swap3A_54] : memref<3x6400xf32, #tpu.memory_space<vmem>>, vector<1x6400xf32>
      tpu.vector_store %arg3[%swap3A, %swap3A_54], %dot_general3A_43 {strides = array<i32>} : memref<3x6400xf32, #tpu.memory_space<vmem>>, vector<1x6400xf32>,
    } else {
    }
    %eq3A_49 = arith.constant 3 : i32
    %eq3A_50 = arith.cmpi eq, %arg0, %eq3A_49 : i32
    %convert_element_type3A_51 = arith.extui %eq3A_50 : i1 to i32
    %cond3A_52 = arith.constant 0 : i32
    %cond3A_53 = arith.cmpi ne, %convert_element_type3A_51, %cond3A_52 : i32
    scf.if %cond3A_53 {
      %iota3A = tpu.iota {dimensions = array<i32: 1>} : vector<1x6400xi32>
      %lt3A_54 = arith.constant 4000 : i32
      %lt3A_55 = vector.broadcast %lt3A_54 : i32 to vector<1x6400xi32>
      %lt3A_56 = arith.cmpi slt, %iota3A, %lt3A_55 : vector<1x6400xi32>
      %jit3A = arith.constant 0.000000e+00 : f32
      %broadcast_in_dim3A = vector.broadcast %jit3A : f32 to vector<1x6400xf32>
      %select_n3A = arith.select %lt3A_56, %dot_general3A_43, %broadcast_in_dim3A : vector<1x6400xi1>, vector<1x6400xf32>
      %swap3A = arith.constant 2 : index
      %swap3A_57 = arith.constant 0 : index
      %swap3A_58 = vector.load %arg3[%swap3A, %swap3A_57] : memref<3x6400xf32, #tpu.memory_space<vmem>>, vector<1x6400xf32>
      tpu.vector_store %arg3[%swap3A, %swap3A_57], %select_n3A {strides = array<i32>} : memref<3x6400xf32, #tpu.memory_space<vmem>>, vector<1x6400xf32>,
    } else {
    }
    return
  }
  func.func @transform_0(%arg0: i32) -> (i32, i32, i32) {
    %add3A = arith.constant 12 : i32
    %add3A_0 = arith.addi %arg0, %add3A : i32
    %c0_i32 = arith.constant 0 : i32
    %c0_i32_1 = arith.constant 0 : i32
    %c0_i32_2 = arith.constant 0 : i32
    return %c0_i32, %add3A_0, %c0_i32_1 : i32, i32, i32
  }
  func.func @transform_1(%arg0: i32) -> (i32, i32) {
    %c0_i32 = arith.constant 0 : i32
    %c0_i32_0 = arith.constant 0 : i32
    %c0_i32_1 = arith.constant 0 : i32
    return %c0_i32, %c0_i32_0 : i32, i32
  }
  func.func @transform_2(%arg0: i32) -> (i32, i32) {
    %c0_i32 = arith.constant 0 : i32
    %c0_i32_0 = arith.constant 0 : i32
    return %c0_i32, %arg0 : i32, i32
  }
}

</mosaic_0001>

<sc_bundles>
// kernel: kernel.6.cloned.1.call-start
scs
__scs_entry_jumppad:
0x0: {  	(pc) =	sbr.rel $0x88, $3  }
0x1: {  	(tag) =	ssettag $0x0;
	lr =	simm.s32 $0x1  }
0x2: {  	[smem:$0x3F9E] =	sst lr;
	_ =	strace $0xD0000000  }
0x3: {  	_ = 	snop  }
0x4: {  	_ = 	snop  }
0x5: {  	_ = 	snop  }
0x6: {  	_ = 	snop  }
0x7: {  	_ = 	snop  }
__scs_overlays_trampoline_lowered:
0x8: {  	[smem:$0x3FAD] =	sst s0  }
0x9: {  	[smem:$0x3FAE] =	sst s1  }
0xa: {  	[smem:$0x3FAF] =	sst s2  }
0xb: {  	[smem:$0x3FB0] =	sst s3  }
0xc: {  	[smem:$0x3FB1] =	sst s4  }
0xd: {  	[smem:$0x3FB2] =	sst s5  }
0xe: {  	[smem:$0x3FB3] =	sst s6  }
0xf: {  	[smem:$0x3FB4] =	sst s7  }
0x10: {  	[smem:$0x3FB5] =	sst s8  }
0x11: {  	[smem:$0x3FB6] =	sst s9;
	s0 =	simm.s32 @!p0 $0x0  }
0x12: {  	s1 =	sld [smem:$0x3F9C];
	s0 =	simm.s32 @p0 $0x1  }
0x13: {  	[smem:$0x3FB7] =	sst s0;
	s0 =	simm.s32 @!p1 $0x0  }
0x14: {  	s2 =	sld [smem:$0x3F9B];
	s0 =	simm.s32 @p1 $0x1  }
0x15: {  	[smem:$0x3FB8] =	sst s0;
	s0 =	simm.s32 @!p2 $0x0  }
0x16: {  	s3 =	sld [smem:$0x3FDB];
	s0 =	simm.s32 @p2 $0x1  }
0x17: {  	s4 =	simm.s32 $0x1BF5;
	[smem:$0x3FBA] =	sst s0  }
0x18: {  	s0 =	sld [smem:$0x3F9D];
	_ =	swait.ge [sflag:s4], $0x0  }
0x19: {  	s7 =	sld [smem:$0x3F9E]  }
0x1a: {  	s8 =	sadd.s32 $0xFFFFE003, lr  }
0x1b: {  	s9 =	sadd.s32 $0xFFFFFEF7, lr;
	s5 =	simm.s32 $0xFFFFFFFF;
	p2 =	slt.u32 s8, $0xFFFFF086  }
0x1c: {  	p1 =	slt.u32 s9, $0xF7A;
	s5 =	simm.s32 @!p2 $0x0  }
0x1d: {  	s5 =	simm.s32 @p1 $0x1;
	p0 =	seq.s32 s7, s2  }
0x1e: {  	s7 =	smul.u32 @!p0 $0xF7A, s2;
	p2 =	seq.s32 @!p0 s5, $0x0  }
0x1f: {  	s9 =	smul.u32 $0xF7A, s1;
	s8 =	simm.s32 @!p0 $0x1BF5;
	p2 =	por !p2, p0  }
0x20: {  	[sflag:s8] =	ssyncset.s32 @!p0 $0xFFFFF086;
	s6 =	sadd.s32 @!p0 s3, s7;
	s7 =	simm.s32 @!p0 $0x108  }
0x21: {  	s3 =	sadd.s32 s3, s9;
	s6 =	sadd.s32 @!p0 $0x88, s6;
	s7 =	simm.s32 @p2 $0x1082  }
0x22: {  	[simem:s7], [sflag:s8] =	dma.local @!p0 [hbm:s6], $0xF7A  }
0x23: {  	s9 =	sor.u32 $0xD0000000, s2;
	s6 =	simm.s32 $0x108;
	_ =	swait.ge @!p0 [sflag:s8], $0x0  }
0x24: {  	s3 =	sadd.s32 $0x88, s3;
	s6 =	simm.s32 @!p1 $0x1082;
	[sflag:s4] =	ssyncset.s32 $0xFFFFF086  }
0x25: {  	[simem:s6], [sflag:s4] =	dma.local [hbm:s3], $0xF7A  }
0x26: {  	[smem:$0x3F9E] =	sst s1;
	(tag) =	ssettag s2;
	_ =	strace s9  }
0x27: {  	s1 =	sld [smem:$0x3FAE]  }
0x28: {  	s2 =	sld [smem:$0x3FAF]  }
0x29: {  	s4 =	sld [smem:$0x3FB1]  }
0x2a: {  	p0 =	seq.s32 s5, $0x0;
	s5 =	sld [smem:$0x3FB2]  }
0x2b: {  	s6 =	sld [smem:$0x3FB3]  }
0x2c: {  	s7 =	sld [smem:$0x3FB4]  }
0x2d: {  	s3 =	simm.s32 $0x108;
	s8 =	sld [smem:$0x3FB5]  }
0x2e: {  	s3 =	simm.s32 @!p0 $0x1082;
	s9 =	sld [smem:$0x3FB6]  }
0x2f: {  	lr =	sadd.s32 s0, s3;
	s0 =	sld [smem:$0x3FAD]  }
0x30: {  	s3 =	sld [smem:$0x3FB0]  }
0x31: {  	[smem:$0x3FB9] =	sst s10  }
0x32: {  	s10 =	sld [smem:$0x3FB7];
	_ =	sdelay $0x3  }
0x33: {  	p0 =	seq.s32 s10, $0x1;
	s10 =	sld [smem:$0x3FB9];
	_ =	sdelay $0x3  }
0x34: {  	[smem:$0x3FB9] =	sst s10  }
0x35: {  	s10 =	sld [smem:$0x3FB8];
	_ =	sdelay $0x3  }
0x36: {  	p1 =	seq.s32 s10, $0x1;
	s10 =	sld [smem:$0x3FB9];
	_ =	sdelay $0x3  }
0x37: {  	[smem:$0x3FB9] =	sst s10  }
0x38: {  	s10 =	sld [smem:$0x3FBA]  }
0x39: {  	_ = 	snop;
	(pc) =	sbr.ind lr, $3  }
0x3a: {  	_ = 	snop  }
0x3b: {  	_ = 	snop  }
0x3c: {  	p2 =	seq.s32 s10, $0x1;
	s10 =	sld [smem:$0x3FB9]  }
0x3d: {  	_ =	shalt  }
0x3e: {  	_ =	shalt  }
0x3f: {  	_ =	shalt  }
0x40: {  	_ =	shalt  }
0x41: {  	_ =	shalt  }
0x42: {  	_ =	shalt  }
0x43: {  	_ =	shalt  }
0x44: {  	_ =	shalt  }
0x45: {  	_ =	shalt  }
0x46: {  	_ =	shalt  }
0x47: {  	_ =	shalt  }
0x48: {  	_ =	shalt  }
0x49: {  	_ =	shalt  }
0x4a: {  	_ =	shalt  }
0x4b: {  	_ =	shalt  }
0x4c: {  	_ =	shalt  }
0x4d: {  	_ =	shalt  }
0x4e: {  	_ =	shalt  }
0x4f: {  	_ =	shalt  }
0x50: {  	_ =	shalt  }
0x51: {  	_ =	shalt  }
0x52: {  	_ =	shalt  }
0x53: {  	_ =	shalt  }
0x54: {  	_ =	shalt  }
0x55: {  	_ =	shalt  }
0x56: {  	_ =	shalt  }
0x57: {  	_ =	shalt  }
0x58: {  	_ =	shalt  }
0x59: {  	_ =	shalt  }
0x5a: {  	_ =	shalt  }
0x5b: {  	_ =	shalt  }
0x5c: {  	_ =	shalt  }
0x5d: {  	_ =	shalt  }
0x5e: {  	_ =	shalt  }
0x5f: {  	_ =	shalt  }
0x60: {  	_ =	shalt  }
0x61: {  	_ =	shalt  }
0x62: {  	_ =	shalt  }
0x63: {  	_ =	shalt  }
0x64: {  	_ =	shalt  }
0x65: {  	_ =	shalt  }
0x66: {  	_ =	shalt  }
0x67: {  	_ =	shalt  }
0x68: {  	_ =	shalt  }
0x69: {  	_ =	shalt  }
0x6a: {  	_ =	shalt  }
0x6b: {  	_ =	shalt  }
0x6c: {  	_ =	shalt  }
0x6d: {  	_ =	shalt  }
0x6e: {  	_ =	shalt  }
0x6f: {  	_ =	shalt  }
0x70: {  	_ =	shalt  }
0x71: {  	_ =	shalt  }
0x72: {  	_ =	shalt  }
0x73: {  	_ =	shalt  }
0x74: {  	_ =	shalt  }
0x75: {  	_ =	shalt  }
0x76: {  	_ =	shalt  }
0x77: {  	_ =	shalt  }
0x78: {  	_ =	shalt  }
0x79: {  	_ =	shalt  }
0x7a: {  	_ =	shalt  }
0x7b: {  	_ =	shalt  }
0x7c: {  	_ =	shalt  }
0x7d: {  	_ =	shalt  }
0x7e: {  	_ =	shalt  }
0x7f: {  	_ =	shalt  }
0x80: {  	_ =	shalt  }
0x81: {  	_ =	shalt  }
0x82: {  	_ =	shalt  }
0x83: {  	_ =	shalt  }
0x84: {  	_ =	shalt  }
0x85: {  	_ =	shalt  }
0x86: {  	_ =	shalt  }
0x87: {  	_ =	shalt  }
.Lfunc_end0:
.L_simem_size_0:
called_computation_lowered:
.L_overlay_start_0:
0x88: {  	s2 =	sld [smem:$0x3FD9]  }
0x89: {  	s3 =	sld [smem:$0x3FFE];
	_ =	sdelay $0x1  }
0x8a: {  	s1 =	srdreg.scid  }
0x8b: {  	s0 =	sand.u32 $0x1, s1  }
0x8c: {  	s17 =	sshll.u32 s0, $0xA;
	s2 =	sadd.s32 s3, s2  }
0x8d: {  	s2 =	sadd.s32 s2, s17  }
0x8e: {  	[smem:$0x3FC5] =	sst s2  }
0x8f: {  	_ = 	snop  }
0x90: {  	s2 =	sld [smem:$0x3FC8];
	(tm) =	ssettm $0x1  }
0x91: {  	s18 =	sld [smem:$0x3FFB];
	_ =	sdelay $0x3  }
0x92: {  	_ =	strace s18  }
0x93: {  	s3 =	sld [smem:$0x3FFC];
	_ =	sdelay $0x3  }
0x94: {  	_ =	strace s3  }
0x95: {  	s3 =	sld [smem:$0x3FFD];
	_ =	sdelay $0x3  }
0x96: {  	_ =	strace s3  }
0x97: {  	_ =	strace $0x8FFFFFFF  }
0x98: {  	s19 =	sld [smem:$0x3FDB];
	_ =	sdelay $0x1  }
0x99: {  	s4 =	simm.s32 $_scs_section_size  }
0x9a: {  	s5 =	simm.s32 $_size__tile_overlayer_lowered;
	s6 =	simm.s32 $_tile_overlayer_lowered  }
0x9b: {  	s22 =	simm.s32 $0x1BFF;
	s21 =	sshll.u32 s6, $0x1;
	s3 =	sadd.s32 s4, s19  }
0x9c: {  	s7 =	simm.s32 $0x0;
	s20 =	sshll.u32 s5, $0x1;
	s5 =	sadd.s32 s21, s3  }
0x9d: {  	[timem:s7], [sflag:s22] =	dma.local [hbm:s5], s20  }
0x9e: {  	_ =	swait.ge [sflag:s22], s20  }
0x9f: {  	s4 =	ssub.s32 $0x0, s20;
	[sflag:s22] =	ssyncset.done $0x0  }
0xa0: {  	[sflag:s22] =	ssyncadd.s32 s4;
	_ =	sdelay $0x1  }
0xa1: {  	s23 =	simm.s32 $0x1B8B  }
0xa2: {  	_ =	swait.ge [sflag:s23], $0x1  }
0xa3: {  	[sflag:s23] =	ssyncset.done $0x0  }
0xa4: {  	s25 =	simm.s32 $0x1B8E;
	s24 =	sld [smem:$0x3FFE];
	[sflag:s23] =	ssyncadd.s32 $0xFFFFFFFF  }
0xa5: {  	s26 =	simm.s32 $execute0_lowered;
	[smem:$0x3FD2] =	sst s25  }
0xa6: {  	s5 =	sshll.u32 s26, $0x1;
	_ =	strace $0x80000046;
	[dreg:$0x1] =	wrdreg $0xFFFFFFFF  }
0xa7: {  	s28 =	simm.s32 $_size_execute0_lowered;
	s3 =	sadd.s32 s3, s5;
	[dreg:$0x0] =	wrdreg $0x0  }
0xa8: {  	s5 =	sshll.u32 s28, $0x1;
	[dreg:$0x2] =	wrdreg s3  }
0xa9: {  	[dreg:$0x3] =	wrdreg s5  }
0xaa: {  	[dreg:$0x4] =	wrdreg $0xC0  }
0xab: {  	_ =	task [dreg:s7], $0x5FFFF  }
0xac: {  	[dreg:$0x1] =	wrdreg $0xFFFFFFFF  }
0xad: {  	[dreg:$0x0] =	wrdreg $0x60  }
0xae: {  	[dreg:$0x2] =	wrdreg s24  }
0xaf: {  	[dreg:$0x3] =	wrdreg s2  }
0xb0: {  	[dreg:$0x4] =	wrdreg $0x3F000  }
0xb1: {  	[dreg:$0x5] =	wrdreg $0x9  }
0xb2: {  	_ =	task.clear_ibuf [dreg:s7], $0x6FFFF;
	_ =	strace $0x90000046  }
0xb3: {  	s29 =	simm.s32 $0x9;
	_ =	strace $0x80000048  }
0xb4: {  	_ =	swait.ge [sflag:s29], $0x1  }
0xb5: {  	[sflag:s29] =	ssyncadd.s32 $0xFFFFFFFF  }
0xb6: {  	_ =	strace $0x90000048  }
0xb7: {  	_ =	sfence  }
0xb8: {  	s30 =	sld [smem:$0x0];
	_ =	sdelay $0x2  }
0xb9: {  	s31 =	sshll.u32 s1, $0xD;
	s1 =	sshrl.u32 s1, $0x2  }
0xba: {  	s3 =	sand.u32 $0x4000, s31;
	s1 =	sadd.s32 s1, s30  }
0xbb: {  	s0 =	sor.u32 s3, s0;
	s1 =	sshll.u32 s1, $0x11  }
0xbc: {  	s0 =	sor.u32 s1, s0  }
0xbd: {  	s0 =	sadd.s32 $0x8F2B, s0  }
0xbe: {  	[sflag:s0] =	ssyncadd.remote.s32 $0x1  }
0xbf: {  	_ =	sfence.sel $0xFFFF  }
0xc0: {  	[dreg:$0x0] =	wrdreg $0xFFFFFFFF;
	(pc) =	sbr.abs _section_cstart, $3  }
0xc1: {  	[dreg:$0x1] =	wrdreg $0xFFFFFFFF  }
0xc2: {  	_ =	task.clear_ibuf [dreg:s7], $0x2FFFF;
	_ =	strace $0x9FFFFFFF  }
0xc3: {  	(tm) =	ssettm $0x7FFFFFFF  }
tec
execute0_lowered:
.L_overlay_start_1:
0x0: {  	(tag) =	ssettag $0x1  }
0x1: {  	s0 =	srdreg.scid;
	s1 =	rddreg [dreg:$0x0]  }
0x2: {  	s10 =	stileid.u32;
	s3 =	rddreg [dreg:$0x1]  }
0x3: {  	s8 =	rddreg [dreg:$0x2];
	s30 =	simm.s32 $0x1;
	s7 =	smul.u32 $0xC0, s10  }
0x4: {  	s31 =	simm.s32 $0x2600;
	s0 =	sand.u32 $0x1, s0;
	s26 =	smul.u32 $0x3000, s10  }
0x5: {  	s2 =	sshll.u32 s0, $0x4;
	s5 =	smul.u32 $0xC00, s0;
	s0 =	ssub.s32 $0x2, s0  }
0x6: {  	s2 =	sor.u32 s10, s2;
	s9 =	sshrl.u32 s0, $0x1;
	s29 =	sshrl.u32 s26, $0x2  }
0x7: {  	s26 =	simm.s32 $0x0;
	s4 =	smul.u32 $0x960, s2;
	s2 =	simm.s32 $0x0  }
0x8: {  	s24 =	sadd.s32 s7, s5;
	s0 =	ssub.s32 s0, s9;
	s7 =	sadd.s32 s7, s8  }
0x9: {  	s8 =	sadd.s32 s29, s8;
	[smem:$0x7FF] =	sst s2;
	s9 =	sadd.s32 $0xC00, s7  }
0xa: {  	s10 =	sadd.s32 $0x1800, s7;
	s11 =	sadd.s32 $0x2400, s7;
	s12 =	sadd.s32 $0x3000, s7  }
0xb: {  	s13 =	sadd.s32 $0x3C00, s7;
	s14 =	sadd.s32 $0x4800, s7;
	s15 =	sadd.s32 $0x5400, s7  }
0xc: {  	s16 =	sadd.s32 $0x6000, s7;
	s17 =	sadd.s32 $0x6C00, s7;
	s18 =	sadd.s32 $0x7800, s7  }
0xd: {  	s19 =	sadd.s32 $0x8400, s7;
	s20 =	sadd.s32 $0x9000, s7;
	s21 =	sadd.s32 $0x9C00, s7  }
0xe: {  	s22 =	sadd.s32 $0xA800, s7;
	s23 =	sadd.s32 $0xB400, s7;
	s6 =	sshrl.u32 s4, $0x3  }
0xf: {  	_ =	strace $0x80000047;
	s4 =	sshrl.u32 s24, $0x3;
	s25 =	sadd.s32 s6, s1  }
0x10: {  	s1 =	sadd.s32 s4, s1;
	s6 =	sadd.s32 s3, s6;
	s28 =	sadd.s32 $0x600, s25  }
0x11: {  	s4 =	sadd.s32 $0x2B80, s25;
	s5 =	sadd.s32 $0x5100, s25;
	s24 =	sadd.s32 $0x7800, s1  }
0x12: {  	v0 =	vimm.f32 $0.0e+00;
	s25 =	smax.u32 s0, $0x1;
	s1 =	simm.s32 $0x2;
	[dreg:$0x4] =	wrdreg s28  }
.LBB2_1:
0x13: {  	s0 =	rddreg [dreg:$0x4]  }
0x14: {  	[tilespmem:s2], [sflag:$0x1] =	stream.linear.gather [hbm4b:s0+s2], $0x960, $0x38;
	[tilespmem:$0x4B00] =	vst v63  }
0x15: {  	s3 =	simm.s32 $0x960  }
0x16: {  	[tilespmem:s3], [sflag:$0x1] =	stream.linear.gather [hbm4b:s4+s2], $0x960, $0x38;
	[tilespmem:$0x4B00] =	vst v63  }
0x17: {  	s28 =	simm.s32 $0x12C0  }
0x18: {  	[tilespmem:s28], [sflag:$0x1] =	stream.linear.gather [hbm4b:s5+s2], $0x960, $0x38;
	[tilespmem:$0x4B00] =	vst v63  }
0x19: {  	s29 =	simm.s32 $0x1C80  }
0x1a: {  	[tilespmem:s29], [sflag:$0x1] =	stream.linear.gather [hbm4b:s6+s2], $0x960, $0x38;
	[tilespmem:$0x4B00] =	vst v63  }
0x1b: {  	_ =	swait.ge [sflag:s30], $0x960  }
0x1c: {  	[sflag:s30] =	ssyncset.done $0x0  }
0x1d: {  	[sflag:s30] =	ssyncadd.s32 $0xFFFFF6A0  }
0x1e: {  	_ =	swait.ge [sflag:s30], $0x960  }
0x1f: {  	[sflag:s30] =	ssyncset.done $0x0  }
0x20: {  	[sflag:s30] =	ssyncadd.s32 $0xFFFFF6A0  }
0x21: {  	_ =	swait.ge [sflag:s30], $0x960  }
0x22: {  	[sflag:s30] =	ssyncset.done $0x0  }
0x23: {  	[sflag:s30] =	ssyncadd.s32 $0xFFFFF6A0  }
0x24: {  	_ =	swait.ge [sflag:s30], $0x960  }
0x25: {  	[sflag:s30] =	ssyncset.done $0x0  }
0x26: {  	s0 =	simm.s32 $0x40;
	s3 =	simm.s32 $0x0;
	[sflag:s30] =	ssyncadd.s32 $0xFFFFF6A0  }
.LBB2_2:
0x27: {  	p0 =	sne.s32 s0, $0x2FC0;
	[tilespmem:s3+$0x2600] =	vst v0;
	s3 =	smov.u32 s0;
	s0 =	sadd.s32 $0x40, s0  }
.Ltmp0:
0x28: {  	(pc) =	sbr.rel @p0 .LBB2_2-.Ltmp0, $2  }
0x29: {  	_ =	sdelay $0x2  }
0x2a: {  	s3 =	sshra.s32 s3, $0x2  }
0x2b: {  	[tilespmem:s3+$0x2600] =	vst v0;
	s0 =	simm.s32 $0x0;
	s3 =	simm.s32 $0x0  }
.LBB2_4:
0x2c: {  	s28 =	sshra.s32 s3, $0x2  }
0x2d: {  	v1 =	vld [tilespmem:s28+$0x1C80];
	_ =	sdelay $0x4  }
0x2e: {  	v1 =	vmul.u32 $0x3, v1  }
0x2f: {  	v2 =	vld [tilespmem:s28+$0x0];
	_ =	sdelay $0x4  }
0x30: {  	[tilespmem:v1+s31+$0x0] =	vst.idx.add.f32.msk $0xffff, v2  }
0x31: {  	v1 =	vld [tilespmem:s28+$0x1C90];
	_ =	sdelay $0x4  }
0x32: {  	v1 =	vmul.u32 $0x3, v1  }
0x33: {  	v2 =	vld [tilespmem:s28+$0x10];
	_ =	sdelay $0x4  }
0x34: {  	[tilespmem:v1+s31+$0x0] =	vst.idx.add.f32.msk $0xffff, v2  }
0x35: {  	v1 =	vld [tilespmem:s28+$0x1CA0];
	_ =	sdelay $0x4  }
0x36: {  	v1 =	vmul.u32 $0x3, v1  }
0x37: {  	p0 =	sne.s32 s3, $0x24C0;
	v2 =	vld [tilespmem:s28+$0x20]  }
.Ltmp1:
0x38: {  	_ = 	snop;
	(pc) =	sbr.rel @p0 .LBB2_4-.Ltmp1, $2  }
0x39: {  	_ =	sdelay $0x2  }
0x3a: {  	s3 =	sadd.s32 $0xC0, s3;
	[tilespmem:v1+s31+$0x0] =	vst.idx.add.f32.msk $0xffff, v2  }
0x3b: {  	s3 =	simm.s32 $0x1CA0;
	s28 =	simm.s32 $0x970  }
.LBB2_6:
0x3c: {  	v1 =	vld [tilespmem:s3+$0xFFFFFFE0];
	_ =	sdelay $0x4  }
0x3d: {  	v1 =	vmul.u32 $0x3, v1;
	_ =	sdelay $0x1  }
0x3e: {  	v2 =	vld [tilespmem:s28+$0xFFFFFFF0];
	v1 =	vadd.s32 $0x1, v1;
	_ =	sdelay $0x4  }
0x3f: {  	[tilespmem:v1+s31+$0x0] =	vst.idx.add.f32.msk $0xffff, v2  }
0x40: {  	v1 =	vld [tilespmem:s3+$0xFFFFFFF0];
	_ =	sdelay $0x4  }
0x41: {  	v1 =	vmul.u32 $0x3, v1;
	_ =	sdelay $0x1  }
0x42: {  	v2 =	vld [tilespmem:s28+$0x0];
	v1 =	vadd.s32 $0x1, v1;
	_ =	sdelay $0x4  }
0x43: {  	[tilespmem:v1+s31+$0x0] =	vst.idx.add.f32.msk $0xffff, v2  }
0x44: {  	v1 =	vld [tilespmem:s3+$0x0];
	_ =	sdelay $0x4  }
0x45: {  	v1 =	vmul.u32 $0x3, v1  }
0x46: {  	s29 =	sand.u32 $0xFF0, s0  }
0x47: {  	p0 =	sne.s32 s0, $0x930;
	v2 =	vld [tilespmem:s29+$0x980];
	v1 =	vadd.s32 $0x1, v1  }
.Ltmp2:
0x48: {  	_ = 	snop;
	(pc) =	sbr.rel @p0 .LBB2_6-.Ltmp2, $2  }
0x49: {  	_ =	sdelay $0x2  }
0x4a: {  	s0 =	sadd.s32 $0x30, s0;
	s28 =	sadd.s32 $0x30, s28;
	s3 =	sadd.s32 $0x30, s3;
	[tilespmem:v1+s31+$0x0] =	vst.idx.add.f32.msk $0xffff, v2  }
0x4b: {  	s0 =	simm.s32 $0x0  }
.LBB2_8:
0x4c: {  	s3 =	sshra.s32 s0, $0x2  }
0x4d: {  	v1 =	vld [tilespmem:s3+$0x1C80];
	_ =	sdelay $0x4  }
0x4e: {  	v1 =	vmul.u32 $0x3, v1;
	_ =	sdelay $0x1  }
0x4f: {  	v2 =	vld [tilespmem:s3+$0x12C0];
	v1 =	vadd.s32 $0x2, v1;
	_ =	sdelay $0x4  }
0x50: {  	[tilespmem:v1+s31+$0x0] =	vst.idx.add.f32.msk $0xffff, v2  }
0x51: {  	v1 =	vld [tilespmem:s3+$0x1C90];
	_ =	sdelay $0x4  }
0x52: {  	v1 =	vmul.u32 $0x3, v1;
	_ =	sdelay $0x1  }
0x53: {  	v2 =	vld [tilespmem:s3+$0x12D0];
	v1 =	vadd.s32 $0x2, v1;
	_ =	sdelay $0x4  }
0x54: {  	[tilespmem:v1+s31+$0x0] =	vst.idx.add.f32.msk $0xffff, v2  }
0x55: {  	v1 =	vld [tilespmem:s3+$0x1CA0];
	_ =	sdelay $0x4  }
0x56: {  	v1 =	vmul.u32 $0x3, v1;
	_ =	sdelay $0x1  }
0x57: {  	p0 =	sne.s32 s0, $0x24C0;
	v2 =	vld [tilespmem:s3+$0x12E0];
	v1 =	vadd.s32 $0x2, v1  }
.Ltmp3:
0x58: {  	_ = 	snop;
	(pc) =	sbr.rel @p0 .LBB2_8-.Ltmp3, $2  }
0x59: {  	_ =	sdelay $0x2  }
0x5a: {  	s0 =	sadd.s32 $0xC0, s0;
	[tilespmem:v1+s31+$0x0] =	vst.idx.add.f32.msk $0xffff, v2  }
0x5b: {  	[spmem:s8] =	stream.linear.scatter [tilespmem:s31], [sflag:$0x2], $0xC00, $0x38;
	[tilespmem:$0x4B00] =	vst v63  }
0x5c: {  	_ =	swait.ge [sflag:s1], $0xC00  }
0x5d: {  	[sflag:s1] =	ssyncset.done $0x0  }
0x5e: {  	[sflag:s1] =	ssyncadd.s32 $0xFFFFF400  }
0x5f: {  	s0 =	simm.s32 $0x3300;
	[bflag:$0x0] =	sbarrier.arrive $0xFFFF  }
0x60: {  	[tilespmem:s0], [sflag:$0x1] =	stream.linear.gather [spmem:s7], $0xC0, $0x38;
	[tilespmem:$0x4B00] =	vst v63  }
0x61: {  	s3 =	simm.s32 $0x33C0  }
0x62: {  	[tilespmem:s3], [sflag:$0x1] =	stream.linear.gather [spmem:s9], $0xC0, $0x38;
	[tilespmem:$0x4B00] =	vst v63  }
0x63: {  	s3 =	simm.s32 $0x3480  }
0x64: {  	[tilespmem:s3], [sflag:$0x1] =	stream.linear.gather [spmem:s10], $0xC0, $0x38;
	[tilespmem:$0x4B00] =	vst v63  }
0x65: {  	s3 =	simm.s32 $0x3540  }
0x66: {  	[tilespmem:s3], [sflag:$0x1] =	stream.linear.gather [spmem:s11], $0xC0, $0x38;
	[tilespmem:$0x4B00] =	vst v63  }
0x67: {  	s3 =	simm.s32 $0x3600  }
0x68: {  	[tilespmem:s3], [sflag:$0x1] =	stream.linear.gather [spmem:s12], $0xC0, $0x38;
	[tilespmem:$0x4B00] =	vst v63  }
0x69: {  	s3 =	simm.s32 $0x36C0  }
0x6a: {  	[tilespmem:s3], [sflag:$0x1] =	stream.linear.gather [spmem:s13], $0xC0, $0x38;
	[tilespmem:$0x4B00] =	vst v63  }
0x6b: {  	s3 =	simm.s32 $0x3780  }
0x6c: {  	[tilespmem:s3], [sflag:$0x1] =	stream.linear.gather [spmem:s14], $0xC0, $0x38;
	[tilespmem:$0x4B00] =	vst v63  }
0x6d: {  	s3 =	simm.s32 $0x3840  }
0x6e: {  	[tilespmem:s3], [sflag:$0x1] =	stream.linear.gather [spmem:s15], $0xC0, $0x38;
	[tilespmem:$0x4B00] =	vst v63  }
0x6f: {  	s3 =	simm.s32 $0x3900  }
0x70: {  	[tilespmem:s3], [sflag:$0x1] =	stream.linear.gather [spmem:s16], $0xC0, $0x38;
	[tilespmem:$0x4B00] =	vst v63  }
0x71: {  	s3 =	simm.s32 $0x39C0  }
0x72: {  	[tilespmem:s3], [sflag:$0x1] =	stream.linear.gather [spmem:s17], $0xC0, $0x38;
	[tilespmem:$0x4B00] =	vst v63  }
0x73: {  	s3 =	simm.s32 $0x3A80  }
0x74: {  	[tilespmem:s3], [sflag:$0x1] =	stream.linear.gather [spmem:s18], $0xC0, $0x38;
	[tilespmem:$0x4B00] =	vst v63  }
0x75: {  	s3 =	simm.s32 $0x3B40  }
0x76: {  	[tilespmem:s3], [sflag:$0x1] =	stream.linear.gather [spmem:s19], $0xC0, $0x38;
	[tilespmem:$0x4B00] =	vst v63  }
0x77: {  	s3 =	simm.s32 $0x3C00  }
0x78: {  	[tilespmem:s3], [sflag:$0x1] =	stream.linear.gather [spmem:s20], $0xC0, $0x38;
	[tilespmem:$0x4B00] =	vst v63  }
0x79: {  	s3 =	simm.s32 $0x3CC0  }
0x7a: {  	[tilespmem:s3], [sflag:$0x1] =	stream.linear.gather [spmem:s21], $0xC0, $0x38;
	[tilespmem:$0x4B00] =	vst v63  }
0x7b: {  	s3 =	simm.s32 $0x3D80  }
0x7c: {  	[tilespmem:s3], [sflag:$0x1] =	stream.linear.gather [spmem:s22], $0xC0, $0x38;
	[tilespmem:$0x4B00] =	vst v63  }
0x7d: {  	s3 =	simm.s32 $0x3E40  }
0x7e: {  	[tilespmem:s3], [sflag:$0x1] =	stream.linear.gather [spmem:s23], $0xC0, $0x38;
	[tilespmem:$0x4B00] =	vst v63  }
0x7f: {  	_ =	swait.ge [sflag:s30], $0xC0  }
0x80: {  	[sflag:s30] =	ssyncset.done $0x0  }
0x81: {  	[sflag:s30] =	ssyncadd.s32 $0xFFFFFF40  }
0x82: {  	_ =	swait.ge [sflag:s30], $0xC0  }
0x83: {  	[sflag:s30] =	ssyncset.done $0x0  }
0x84: {  	[sflag:s30] =	ssyncadd.s32 $0xFFFFFF40  }
0x85: {  	_ =	swait.ge [sflag:s30], $0xC0  }
0x86: {  	[sflag:s30] =	ssyncset.done $0x0  }
0x87: {  	[sflag:s30] =	ssyncadd.s32 $0xFFFFFF40  }
0x88: {  	_ =	swait.ge [sflag:s30], $0xC0  }
0x89: {  	[sflag:s30] =	ssyncset.done $0x0  }
0x8a: {  	[sflag:s30] =	ssyncadd.s32 $0xFFFFFF40  }
0x8b: {  	_ =	swait.ge [sflag:s30], $0xC0  }
0x8c: {  	[sflag:s30] =	ssyncset.done $0x0  }
0x8d: {  	[sflag:s30] =	ssyncadd.s32 $0xFFFFFF40  }
0x8e: {  	_ =	swait.ge [sflag:s30], $0xC0  }
0x8f: {  	[sflag:s30] =	ssyncset.done $0x0  }
0x90: {  	[sflag:s30] =	ssyncadd.s32 $0xFFFFFF40  }
0x91: {  	_ =	swait.ge [sflag:s30], $0xC0  }
0x92: {  	[sflag:s30] =	ssyncset.done $0x0  }
0x93: {  	[sflag:s30] =	ssyncadd.s32 $0xFFFFFF40  }
0x94: {  	_ =	swait.ge [sflag:s30], $0xC0  }
0x95: {  	[sflag:s30] =	ssyncset.done $0x0  }
0x96: {  	[sflag:s30] =	ssyncadd.s32 $0xFFFFFF40  }
0x97: {  	_ =	swait.ge [sflag:s30], $0xC0  }
0x98: {  	[sflag:s30] =	ssyncset.done $0x0  }
0x99: {  	[sflag:s30] =	ssyncadd.s32 $0xFFFFFF40  }
0x9a: {  	_ =	swait.ge [sflag:s30], $0xC0  }
0x9b: {  	[sflag:s30] =	ssyncset.done $0x0  }
0x9c: {  	[sflag:s30] =	ssyncadd.s32 $0xFFFFFF40  }
0x9d: {  	_ =	swait.ge [sflag:s30], $0xC0  }
0x9e: {  	[sflag:s30] =	ssyncset.done $0x0  }
0x9f: {  	[sflag:s30] =	ssyncadd.s32 $0xFFFFFF40  }
0xa0: {  	_ =	swait.ge [sflag:s30], $0xC0  }
0xa1: {  	[sflag:s30] =	ssyncset.done $0x0  }
0xa2: {  	[sflag:s30] =	ssyncadd.s32 $0xFFFFFF40  }
0xa3: {  	_ =	swait.ge [sflag:s30], $0xC0  }
0xa4: {  	[sflag:s30] =	ssyncset.done $0x0  }
0xa5: {  	[sflag:s30] =	ssyncadd.s32 $0xFFFFFF40  }
0xa6: {  	_ =	swait.ge [sflag:s30], $0xC0  }
0xa7: {  	[sflag:s30] =	ssyncset.done $0x0  }
0xa8: {  	[sflag:s30] =	ssyncadd.s32 $0xFFFFFF40  }
0xa9: {  	_ =	swait.ge [sflag:s30], $0xC0  }
0xaa: {  	[sflag:s30] =	ssyncset.done $0x0  }
0xab: {  	[sflag:s30] =	ssyncadd.s32 $0xFFFFFF40  }
0xac: {  	_ =	swait.ge [sflag:s30], $0xC0  }
0xad: {  	[sflag:s30] =	ssyncset.done $0x0  }
0xae: {  	s29 =	simm.s32 $0x0;
	[sflag:s30] =	ssyncadd.s32 $0xFFFFFF40  }
0xaf: {  	v1 =	vld [tilespmem:s29+$0x3300];
	_ =	sdelay $0x1  }
0xb0: {  	v2 =	vld [tilespmem:s29+$0x33C0];
	_ =	sdelay $0x1  }
0xb1: {  	v3 =	vld [tilespmem:s29+$0x3480]  }
0xb2: {  	v1 =	vadd.f32 $0.0e+00, v1  }
0xb3: {  	v4 =	vld [tilespmem:s29+$0x3540]  }
0xb4: {  	v1 =	vadd.f32 v2, v1  }
0xb5: {  	v2 =	vld [tilespmem:s29+$0x3600]  }
0xb6: {  	v1 =	vadd.f32 v3, v1  }
0xb7: {  	v3 =	vld [tilespmem:s29+$0x36C0]  }
0xb8: {  	v1 =	vadd.f32 v4, v1  }
0xb9: {  	v4 =	vld [tilespmem:s29+$0x3780]  }
0xba: {  	v1 =	vadd.f32 v2, v1  }
0xbb: {  	s28 =	simm.s32 $0x10;
	v2 =	vld [tilespmem:s29+$0x3840]  }
0xbc: {  	v5 =	vld [tilespmem:s28+$0x3300];
	v1 =	vadd.f32 v3, v1  }
0xbd: {  	v3 =	vld [tilespmem:s29+$0x3900]  }
0xbe: {  	v6 =	vld [tilespmem:s28+$0x33C0];
	v1 =	vadd.f32 v4, v1  }
0xbf: {  	v4 =	vld [tilespmem:s29+$0x39C0]  }
0xc0: {  	v7 =	vld [tilespmem:s28+$0x3480];
	v1 =	vadd.f32 v2, v1  }
0xc1: {  	v2 =	vld [tilespmem:s29+$0x3A80]  }
0xc2: {  	v8 =	vld [tilespmem:s28+$0x3540];
	v5 =	vadd.f32 $0.0e+00, v5;
	v1 =	vadd.f32 v3, v1  }
0xc3: {  	v3 =	vld [tilespmem:s29+$0x3B40]  }
0xc4: {  	v9 =	vld [tilespmem:s28+$0x3600];
	v5 =	vadd.f32 v6, v5;
	v1 =	vadd.f32 v4, v1  }
0xc5: {  	v6 =	vld [tilespmem:s29+$0x3C00]  }
0xc6: {  	v10 =	vld [tilespmem:s28+$0x36C0];
	v4 =	vadd.f32 v7, v5;
	v1 =	vadd.f32 v2, v1  }
0xc7: {  	v7 =	vld [tilespmem:s29+$0x3CC0]  }
0xc8: {  	v2 =	vadd.f32 v8, v4;
	v4 =	vld [tilespmem:s28+$0x3780];
	v3 =	vadd.f32 v3, v1  }
0xc9: {  	v1 =	vld [tilespmem:s29+$0x3D80]  }
0xca: {  	v5 =	vld [tilespmem:s28+$0x3840];
	v8 =	vadd.f32 v9, v2;
	v63 =	vadd.f32 v6, v3  }
0xcb: {  	v2 =	vld [tilespmem:s29+$0x3E40]  }
0xcc: {  	s0 =	simm.s32 $0x20;
	s3 =	simm.s32 $0xC0;
	v6 =	vadd.f32 v10, v8;
	v3 =	vld [tilespmem:s28+$0x3900];
	v7 =	vadd.f32 v7, v63  }
.LBB2_10:
0xcd: {  	p0 =	sne.s32 s3, $0x2C0;
	v8 =	vld [tilespmem:s0+$0x3300]  }
0xce: {  	v4 =	vadd.f32 v4, v6;
	v6 =	vld [tilespmem:s28+$0x39C0];
	v1 =	vadd.f32 v1, v7  }
0xcf: {  	v7 =	vld [tilespmem:s0+$0x33C0]  }
0xd0: {  	v4 =	vadd.f32 v5, v4;
	v5 =	vld [tilespmem:s28+$0x3A80];
	v1 =	vadd.f32 v2, v1  }
0xd1: {  	v2 =	vld [tilespmem:s0+$0x3480]  }
0xd2: {  	v8 =	vadd.f32 $0.0e+00, v8;
	v3 =	vadd.f32 v3, v4;
	v4 =	vld [tilespmem:s28+$0x3B40];
	[tilespmem:s29+$0x3200] =	vst v1;
	s29 =	smov.u32 s28;
	s28 =	smov.u32 s0  }
0xd3: {  	v1 =	vld [tilespmem:s28+$0x3540]  }
0xd4: {  	v7 =	vadd.f32 v7, v8;
	v3 =	vadd.f32 v6, v3;
	v6 =	vld [tilespmem:s29+$0x3C00]  }
0xd5: {  	v8 =	vld [tilespmem:s28+$0x3600]  }
0xd6: {  	v2 =	vadd.f32 v2, v7;
	v3 =	vadd.f32 v5, v3;
	v7 =	vld [tilespmem:s29+$0x3CC0]  }
0xd7: {  	v9 =	vld [tilespmem:s28+$0x36C0]  }
.Ltmp4:
0xd8: {  	v2 =	vadd.f32 v1, v2;
	v3 =	vadd.f32 v4, v3;
	v1 =	vld [tilespmem:s29+$0x3D80];
	(pc) =	sbr.rel @p0 .LBB2_10-.Ltmp4, $4  }
0xd9: {  	v4 =	vld [tilespmem:s28+$0x3780]  }
0xda: {  	v8 =	vadd.f32 v8, v2;
	v10 =	vadd.f32 v6, v3;
	v2 =	vld [tilespmem:s29+$0x3E40]  }
0xdb: {  	v5 =	vld [tilespmem:s28+$0x3840]  }
0xdc: {  	s0 =	sshra.s32 s3, $0x2;
	s3 =	sadd.s32 $0x40, s3;
	v6 =	vadd.f32 v9, v8;
	v3 =	vld [tilespmem:s28+$0x3900];
	v7 =	vadd.f32 v7, v10  }
0xdd: {  	v8 =	vld [tilespmem:s0+$0x3300]  }
0xde: {  	v9 =	vld [tilespmem:s28+$0x39C0];
	v1 =	vadd.f32 v1, v7  }
0xdf: {  	v49 =	vld [tilespmem:s0+$0x33C0]  }
0xe0: {  	v10 =	vld [tilespmem:s28+$0x3A80];
	v4 =	vadd.f32 v4, v6;
	v1 =	vadd.f32 v2, v1  }
0xe1: {  	v2 =	vld [tilespmem:s0+$0x3480]  }
0xe2: {  	v50 =	vld [tilespmem:s28+$0x3B40];
	v4 =	vadd.f32 v5, v4;
	v51 =	vadd.f32 $0.0e+00, v8;
	[tilespmem:s29+$0x3200] =	vst v1  }
0xe3: {  	v1 =	vld [tilespmem:s0+$0x3540]  }
0xe4: {  	v3 =	vadd.f32 v3, v4;
	v52 =	vadd.f32 v49, v51  }
0xe5: {  	v53 =	vld [tilespmem:s0+$0x3600]  }
0xe6: {  	v54 =	vld [tilespmem:s28+$0x3C00];
	v3 =	vadd.f32 v9, v3;
	v2 =	vadd.f32 v2, v52  }
0xe7: {  	v55 =	vld [tilespmem:s0+$0x36C0]  }
0xe8: {  	v56 =	vld [tilespmem:s28+$0x3CC0];
	v3 =	vadd.f32 v10, v3;
	v1 =	vadd.f32 v1, v2  }
0xe9: {  	v2 =	vld [tilespmem:s0+$0x3780]  }
0xea: {  	v57 =	vld [tilespmem:s28+$0x3D80];
	v3 =	vadd.f32 v50, v3;
	v1 =	vadd.f32 v53, v1  }
0xeb: {  	v58 =	vld [tilespmem:s0+$0x3840]  }
0xec: {  	v59 =	vld [tilespmem:s28+$0x3E40];
	v3 =	vadd.f32 v54, v3;
	v1 =	vadd.f32 v55, v1  }
0xed: {  	v60 =	vld [tilespmem:s0+$0x3900]  }
0xee: {  	v3 =	vadd.f32 v56, v3;
	v1 =	vadd.f32 v2, v1  }
0xef: {  	v2 =	vld [tilespmem:s0+$0x39C0]  }
0xf0: {  	v3 =	vadd.f32 v57, v3;
	v1 =	vadd.f32 v58, v1  }
0xf1: {  	v61 =	vld [tilespmem:s0+$0x3A80]  }
0xf2: {  	v3 =	vadd.f32 v59, v3;
	v1 =	vadd.f32 v60, v1  }
0xf3: {  	v62 =	vld [tilespmem:s0+$0x3B40]  }
0xf4: {  	[tilespmem:s28+$0x3200] =	vst v3;
	v1 =	vadd.f32 v2, v1  }
0xf5: {  	v2 =	vld [tilespmem:s0+$0x3C00]  }
0xf6: {  	v1 =	vadd.f32 v61, v1  }
0xf7: {  	v3 =	vld [tilespmem:s0+$0x3CC0]  }
0xf8: {  	v1 =	vadd.f32 v62, v1  }
0xf9: {  	v63 =	vld [tilespmem:s0+$0x3D80]  }
0xfa: {  	v1 =	vadd.f32 v2, v1  }
0xfb: {  	v2 =	vld [tilespmem:s0+$0x3E40]  }
0xfc: {  	v1 =	vadd.f32 v3, v1;
	_ =	sdelay $0x1  }
0xfd: {  	v1 =	vadd.f32 v63, v1;
	_ =	sdelay $0x1  }
0xfe: {  	s26 =	sadd.s32 $0x1, s26;
	v1 =	vadd.f32 v2, v1  }
0xff: {  	p0 =	sne.s32 s26, s25  }
.Ltmp5:
0x100: {  	s29 =	simm.s32 $0x3200;
	[tilespmem:s0+$0x3200] =	vst v1;
	(pc) =	sbr.rel @p0 .LBB2_1-.Ltmp5, $4  }
0x101: {  	[hbm4b:s24+s2] =	stream.linear.scatter [tilespmem:s29], [sflag:$0x2], $0xC0, $0x38;
	[tilespmem:$0x4B00] =	vst v63  }
0x102: {  	_ =	swait.ge [sflag:s1], $0xC0  }
0x103: {  	[sflag:s1] =	ssyncset.done $0x0  }
0x104: {  	[sflag:s1] =	ssyncadd.s32 $0xFFFFFF40  }
0x105: {  	_ =	sfence.sel $0x180000  }
0x106: {  	[bflag:$0x0] =	sbarrier.arrive $0xFFFF  }
0x107: {  	_ =	strace $0x90000047  }
0x108: {  	s0 =	stileid.u32;
	[bflag:$0x2] =	sbarrier.arrive $0xFFFF  }
0x109: {  	p0 =	sne.s32 s0, $0x0;
	s0 =	rddreg [dreg:$0x3]  }
0x10a: {  	s0 =	sadd.s32 @!p0 $0x100000, s0  }
0x10b: {  	[sflag:s0] =	ssyncadd.tile.s32 @!p0 $0x1;
	_ =	shalt  }
.Lfunc_end2:
_tile_overlayer_lowered:
.L_overlay_start_2:
0x10c: {  	(tag) =	ssettag $0x2  }
0x10d: {  	s0 =	rddreg [dreg:$0x0];
	s2 =	stileid.u32  }
0x10e: {  	s1 =	rddreg [dreg:$0x1];
	p0 =	sne.s32 s2, $0x0  }
0x10f: {  	s3 =	rddreg [dreg:$0x2];
	[bflag:$0x3] =	sbarrier.arrive $0xFFFF;
	s2 =	simm.s32 @!p0 $0x1C02  }
0x110: {  	[timem:s3], [sflag:s2] =	dma.local @!p0 [hbm:s0], s1  }
0x111: {  	s0 =	simm.s32 @!p0 $0x2  }
0x112: {  	_ =	swait.ge @!p0 [sflag:s0], s1  }
0x113: {  	s1 =	ssub.s32 @!p0 $0x0, s1;
	[sflag:s0] =	ssyncset.done @!p0 $0x0  }
0x114: {  	[sflag:s0] =	ssyncadd.s32 @!p0 s1  }
0x115: {  	[bflag:$0x3] =	sbarrier.arrive $0xFFFF  }
0x116: {  	_ =	shalt  }

// kernel: kernel.9.cloned.1.call-start
scs
__scs_entry_jumppad:
0x0: {  	(pc) =	sbr.rel $0x88, $3  }
0x1: {  	(tag) =	ssettag $0x0;
	lr =	simm.s32 $0x1  }
0x2: {  	[smem:$0x3F9E] =	sst lr;
	_ =	strace $0xD0000000  }
0x3: {  	_ = 	snop  }
0x4: {  	_ = 	snop  }
0x5: {  	_ = 	snop  }
0x6: {  	_ = 	snop  }
0x7: {  	_ = 	snop  }
__scs_overlays_trampoline_lowered:
0x8: {  	[smem:$0x3FAD] =	sst s0  }
0x9: {  	[smem:$0x3FAE] =	sst s1  }
0xa: {  	[smem:$0x3FAF] =	sst s2  }
0xb: {  	[smem:$0x3FB0] =	sst s3  }
0xc: {  	[smem:$0x3FB1] =	sst s4  }
0xd: {  	[smem:$0x3FB2] =	sst s5  }
0xe: {  	[smem:$0x3FB3] =	sst s6  }
0xf: {  	[smem:$0x3FB4] =	sst s7  }
0x10: {  	[smem:$0x3FB5] =	sst s8  }
0x11: {  	[smem:$0x3FB6] =	sst s9;
	s0 =	simm.s32 @!p0 $0x0  }
0x12: {  	s1 =	sld [smem:$0x3F9C];
	s0 =	simm.s32 @p0 $0x1  }
0x13: {  	[smem:$0x3FB7] =	sst s0;
	s0 =	simm.s32 @!p1 $0x0  }
0x14: {  	s2 =	sld [smem:$0x3F9B];
	s0 =	simm.s32 @p1 $0x1  }
0x15: {  	[smem:$0x3FB8] =	sst s0;
	s0 =	simm.s32 @!p2 $0x0  }
0x16: {  	s3 =	sld [smem:$0x3FDB];
	s0 =	simm.s32 @p2 $0x1  }
0x17: {  	s4 =	simm.s32 $0x1BF5;
	[smem:$0x3FBA] =	sst s0  }
0x18: {  	s0 =	sld [smem:$0x3F9D];
	_ =	swait.ge [sflag:s4], $0x0  }
0x19: {  	s7 =	sld [smem:$0x3F9E]  }
0x1a: {  	s8 =	sadd.s32 $0xFFFFE003, lr  }
0x1b: {  	s9 =	sadd.s32 $0xFFFFFEF7, lr;
	s5 =	simm.s32 $0xFFFFFFFF;
	p2 =	slt.u32 s8, $0xFFFFF086  }
0x1c: {  	p1 =	slt.u32 s9, $0xF7A;
	s5 =	simm.s32 @!p2 $0x0  }
0x1d: {  	s5 =	simm.s32 @p1 $0x1;
	p0 =	seq.s32 s7, s2  }
0x1e: {  	s7 =	smul.u32 @!p0 $0xF7A, s2;
	p2 =	seq.s32 @!p0 s5, $0x0  }
0x1f: {  	s9 =	smul.u32 $0xF7A, s1;
	s8 =	simm.s32 @!p0 $0x1BF5;
	p2 =	por !p2, p0  }
0x20: {  	[sflag:s8] =	ssyncset.s32 @!p0 $0xFFFFF086;
	s6 =	sadd.s32 @!p0 s3, s7;
	s7 =	simm.s32 @!p0 $0x108  }
0x21: {  	s3 =	sadd.s32 s3, s9;
	s6 =	sadd.s32 @!p0 $0x88, s6;
	s7 =	simm.s32 @p2 $0x1082  }
0x22: {  	[simem:s7], [sflag:s8] =	dma.local @!p0 [hbm:s6], $0xF7A  }
0x23: {  	s9 =	sor.u32 $0xD0000000, s2;
	s6 =	simm.s32 $0x108;
	_ =	swait.ge @!p0 [sflag:s8], $0x0  }
0x24: {  	s3 =	sadd.s32 $0x88, s3;
	s6 =	simm.s32 @!p1 $0x1082;
	[sflag:s4] =	ssyncset.s32 $0xFFFFF086  }
0x25: {  	[simem:s6], [sflag:s4] =	dma.local [hbm:s3], $0xF7A  }
0x26: {  	[smem:$0x3F9E] =	sst s1;
	(tag) =	ssettag s2;
	_ =	strace s9  }
0x27: {  	s1 =	sld [smem:$0x3FAE]  }
0x28: {  	s2 =	sld [smem:$0x3FAF]  }
0x29: {  	s4 =	sld [smem:$0x3FB1]  }
0x2a: {  	p0 =	seq.s32 s5, $0x0;
	s5 =	sld [smem:$0x3FB2]  }
0x2b: {  	s6 =	sld [smem:$0x3FB3]  }
0x2c: {  	s7 =	sld [smem:$0x3FB4]  }
0x2d: {  	s3 =	simm.s32 $0x108;
	s8 =	sld [smem:$0x3FB5]  }
0x2e: {  	s3 =	simm.s32 @!p0 $0x1082;
	s9 =	sld [smem:$0x3FB6]  }
0x2f: {  	lr =	sadd.s32 s0, s3;
	s0 =	sld [smem:$0x3FAD]  }
0x30: {  	s3 =	sld [smem:$0x3FB0]  }
0x31: {  	[smem:$0x3FB9] =	sst s10  }
0x32: {  	s10 =	sld [smem:$0x3FB7];
	_ =	sdelay $0x3  }
0x33: {  	p0 =	seq.s32 s10, $0x1;
	s10 =	sld [smem:$0x3FB9];
	_ =	sdelay $0x3  }
0x34: {  	[smem:$0x3FB9] =	sst s10  }
0x35: {  	s10 =	sld [smem:$0x3FB8];
	_ =	sdelay $0x3  }
0x36: {  	p1 =	seq.s32 s10, $0x1;
	s10 =	sld [smem:$0x3FB9];
	_ =	sdelay $0x3  }
0x37: {  	[smem:$0x3FB9] =	sst s10  }
0x38: {  	s10 =	sld [smem:$0x3FBA]  }
0x39: {  	_ = 	snop;
	(pc) =	sbr.ind lr, $3  }
0x3a: {  	_ = 	snop  }
0x3b: {  	_ = 	snop  }
0x3c: {  	p2 =	seq.s32 s10, $0x1;
	s10 =	sld [smem:$0x3FB9]  }
0x3d: {  	_ =	shalt  }
0x3e: {  	_ =	shalt  }
0x3f: {  	_ =	shalt  }
0x40: {  	_ =	shalt  }
0x41: {  	_ =	shalt  }
0x42: {  	_ =	shalt  }
0x43: {  	_ =	shalt  }
0x44: {  	_ =	shalt  }
0x45: {  	_ =	shalt  }
0x46: {  	_ =	shalt  }
0x47: {  	_ =	shalt  }
0x48: {  	_ =	shalt  }
0x49: {  	_ =	shalt  }
0x4a: {  	_ =	shalt  }
0x4b: {  	_ =	shalt  }
0x4c: {  	_ =	shalt  }
0x4d: {  	_ =	shalt  }
0x4e: {  	_ =	shalt  }
0x4f: {  	_ =	shalt  }
0x50: {  	_ =	shalt  }
0x51: {  	_ =	shalt  }
0x52: {  	_ =	shalt  }
0x53: {  	_ =	shalt  }
0x54: {  	_ =	shalt  }
0x55: {  	_ =	shalt  }
0x56: {  	_ =	shalt  }
0x57: {  	_ =	shalt  }
0x58: {  	_ =	shalt  }
0x59: {  	_ =	shalt  }
0x5a: {  	_ =	shalt  }
0x5b: {  	_ =	shalt  }
0x5c: {  	_ =	shalt  }
0x5d: {  	_ =	shalt  }
0x5e: {  	_ =	shalt  }
0x5f: {  	_ =	shalt  }
0x60: {  	_ =	shalt  }
0x61: {  	_ =	shalt  }
0x62: {  	_ =	shalt  }
0x63: {  	_ =	shalt  }
0x64: {  	_ =	shalt  }
0x65: {  	_ =	shalt  }
0x66: {  	_ =	shalt  }
0x67: {  	_ =	shalt  }
0x68: {  	_ =	shalt  }
0x69: {  	_ =	shalt  }
0x6a: {  	_ =	shalt  }
0x6b: {  	_ =	shalt  }
0x6c: {  	_ =	shalt  }
0x6d: {  	_ =	shalt  }
0x6e: {  	_ =	shalt  }
0x6f: {  	_ =	shalt  }
0x70: {  	_ =	shalt  }
0x71: {  	_ =	shalt  }
0x72: {  	_ =	shalt  }
0x73: {  	_ =	shalt  }
0x74: {  	_ =	shalt  }
0x75: {  	_ =	shalt  }
0x76: {  	_ =	shalt  }
0x77: {  	_ =	shalt  }
0x78: {  	_ =	shalt  }
0x79: {  	_ =	shalt  }
0x7a: {  	_ =	shalt  }
0x7b: {  	_ =	shalt  }
0x7c: {  	_ =	shalt  }
0x7d: {  	_ =	shalt  }
0x7e: {  	_ =	shalt  }
0x7f: {  	_ =	shalt  }
0x80: {  	_ =	shalt  }
0x81: {  	_ =	shalt  }
0x82: {  	_ =	shalt  }
0x83: {  	_ =	shalt  }
0x84: {  	_ =	shalt  }
0x85: {  	_ =	shalt  }
0x86: {  	_ =	shalt  }
0x87: {  	_ =	shalt  }
.Lfunc_end0:
.L_simem_size_0:
called_computation.1_lowered:
.L_overlay_start_0:
0x88: {  	s2 =	sld [smem:$0x3FD9]  }
0x89: {  	s3 =	sld [smem:$0x3FFE];
	_ =	sdelay $0x1  }
0x8a: {  	s1 =	srdreg.scid  }
0x8b: {  	s0 =	sand.u32 $0x1, s1  }
0x8c: {  	s17 =	sshll.u32 s0, $0xA;
	s2 =	sadd.s32 s3, s2  }
0x8d: {  	s2 =	sadd.s32 s2, s17  }
0x8e: {  	[smem:$0x3FC5] =	sst s2  }
0x8f: {  	_ = 	snop  }
0x90: {  	s18 =	sld [smem:$0x3FC8];
	(tm) =	ssettm $0x1  }
0x91: {  	s19 =	sld [smem:$0x3FFB];
	_ =	sdelay $0x3  }
0x92: {  	_ =	strace s19  }
0x93: {  	s2 =	sld [smem:$0x3FFC];
	_ =	sdelay $0x3  }
0x94: {  	_ =	strace s2  }
0x95: {  	s2 =	sld [smem:$0x3FFD];
	_ =	sdelay $0x3  }
0x96: {  	_ =	strace s2  }
0x97: {  	_ =	strace $0x8FFFFFFF  }
0x98: {  	s20 =	sld [smem:$0x3FDB];
	_ =	sdelay $0x1  }
0x99: {  	s4 =	simm.s32 $_scs_section_size  }
0x9a: {  	s5 =	simm.s32 $_size__tile_overlayer_lowered;
	s6 =	simm.s32 $_tile_overlayer_lowered  }
0x9b: {  	s7 =	simm.s32 $0x1BFF;
	s21 =	sshll.u32 s6, $0x1;
	s4 =	sadd.s32 s4, s20  }
0x9c: {  	s22 =	simm.s32 $0x0;
	s5 =	sshll.u32 s5, $0x1;
	s6 =	sadd.s32 s21, s4  }
0x9d: {  	[timem:s22], [sflag:s7] =	dma.local [hbm:s6], s5  }
0x9e: {  	_ =	swait.ge [sflag:s7], s5  }
0x9f: {  	s5 =	ssub.s32 $0x0, s5;
	[sflag:s7] =	ssyncset.done $0x0  }
0xa0: {  	[sflag:s7] =	ssyncadd.s32 s5;
	_ =	sdelay $0x1  }
0xa1: {  	s23 =	simm.s32 $0x1B8B  }
0xa2: {  	_ =	swait.ge [sflag:s23], $0x1  }
0xa3: {  	[sflag:s23] =	ssyncset.done $0x0  }
0xa4: {  	[sflag:s23] =	ssyncadd.s32 $0xFFFFFFFF  }
0xa5: {  	s5 =	sld [smem:$0x0]  }
0xa6: {  	s6 =	sand.u32 $0xFFFFFFFE, s1  }
0xa7: {  	p0 =	sne.s32 s1, s6  }
0xa8: {  	s6 =	sshll.u32 @p0 s6, $0xE  }
0xa9: {  	s6 =	sadd.s32 @p0 $0x11B8D, s6;
	s7 =	sshll.u32 @p0 s5, $0x11  }
0xaa: {  	s6 =	sor.u32 @p0 s7, s6  }
0xab: {  	[sflag:s6] =	ssyncadd.remote.s32 @p0 $0x1;
	_ =	sdelay $0x1  }
0xac: {  	s6 =	simm.s32 @p0 $0x1B8D  }
0xad: {  	_ =	swait.eq @p0 [sflag:s6], $0x1  }
0xae: {  	[sflag:s6] =	ssyncadd.s32 @p0 $0xFFFFFFFF  }
0xaf: {  	s7 =	sshll.u32 @!p0 s1, $0xE  }
0xb0: {  	s7 =	sor.u32 @!p0 $0x4000, s7;
	s6 =	simm.s32 @!p0 $0x1B8D  }
0xb1: {  	s5 =	sshll.u32 @!p0 s5, $0x11;
	s7 =	sadd.s32 @!p0 $0x11B8D, s7;
	_ =	swait.eq @!p0 [sflag:s6], $0x1  }
0xb2: {  	s5 =	sor.u32 @!p0 s5, s7;
	[sflag:s6] =	ssyncadd.s32 @!p0 $0xFFFFFFFF  }
0xb3: {  	s25 =	simm.s32 $0x1B8E;
	s24 =	sld [smem:$0x3FFE];
	[sflag:s5] =	ssyncadd.remote.s32 @!p0 $0x1  }
0xb4: {  	s26 =	simm.s32 $execute0_lowered;
	[smem:$0x3FD2] =	sst s25  }
0xb5: {  	s6 =	sshll.u32 s26, $0x1;
	_ =	strace $0x80000049;
	[dreg:$0x1] =	wrdreg $0xFFFFFFFF  }
0xb6: {  	s28 =	simm.s32 $_size_execute0_lowered;
	s4 =	sadd.s32 s4, s6;
	[dreg:$0x0] =	wrdreg $0x0  }
0xb7: {  	s6 =	sshll.u32 s28, $0x1;
	[dreg:$0x2] =	wrdreg s4  }
0xb8: {  	[dreg:$0x3] =	wrdreg s6  }
0xb9: {  	[dreg:$0x4] =	wrdreg $0xC0  }
0xba: {  	_ =	task [dreg:s22], $0x5FFFF  }
0xbb: {  	[dreg:$0x1] =	wrdreg $0xFFFFFFFF  }
0xbc: {  	[dreg:$0x0] =	wrdreg $0x60  }
0xbd: {  	[dreg:$0x2] =	wrdreg s24  }
0xbe: {  	[dreg:$0x3] =	wrdreg s18  }
0xbf: {  	[dreg:$0x4] =	wrdreg $0x26000  }
0xc0: {  	[dreg:$0x5] =	wrdreg $0xA  }
0xc1: {  	_ =	task.clear_ibuf [dreg:s22], $0x6FFFF;
	_ =	strace $0x90000049  }
0xc2: {  	s29 =	simm.s32 $0xA;
	_ =	strace $0x8000004B  }
0xc3: {  	_ =	swait.ge [sflag:s29], $0x1  }
0xc4: {  	[sflag:s29] =	ssyncadd.s32 $0xFFFFFFFF  }
0xc5: {  	_ =	strace $0x9000004B  }
0xc6: {  	_ =	sfence  }
0xc7: {  	s30 =	sld [smem:$0x0];
	_ =	sdelay $0x2  }
0xc8: {  	s31 =	sshll.u32 s1, $0xD;
	s1 =	sshrl.u32 s1, $0x2  }
0xc9: {  	s4 =	sand.u32 $0x4000, s31;
	s1 =	sadd.s32 s1, s30  }
0xca: {  	s0 =	sor.u32 s4, s0;
	s1 =	sshll.u32 s1, $0x11  }
0xcb: {  	s0 =	sor.u32 s1, s0  }
0xcc: {  	s0 =	sadd.s32 $0x8F2B, s0  }
0xcd: {  	[sflag:s0] =	ssyncadd.remote.s32 $0x1  }
0xce: {  	_ =	sfence.sel $0xFFFF  }
0xcf: {  	[dreg:$0x0] =	wrdreg $0xFFFFFFFF;
	(pc) =	sbr.abs _section_cstart, $3  }
0xd0: {  	[dreg:$0x1] =	wrdreg $0xFFFFFFFF  }
0xd1: {  	_ =	task.clear_ibuf [dreg:s22], $0x2FFFF;
	_ =	strace $0x9FFFFFFF  }
0xd2: {  	(tm) =	ssettm $0x7FFFFFFF  }
0xd3: {  	_ =	shalt  }
tec
execute0_lowered:
.L_overlay_start_1:
0x0: {  	(tag) =	ssettag $0x1  }
0x1: {  	s3 =	rddreg [dreg:$0x0]  }
0x2: {  	s0 =	srdreg.scid;
	s6 =	rddreg [dreg:$0x1]  }
0x3: {  	s10 =	stileid.u32;
	s8 =	rddreg [dreg:$0x2];
	s2 =	simm.s32 $0x0  }
0x4: {  	s30 =	simm.s32 $0x1;
	s31 =	simm.s32 $0xD00;
	s0 =	sand.u32 $0x1, s0  }
0x5: {  	s9 =	smul.u32 $0xC0, s10;
	[smem:$0x7FF] =	sst s2;
	s1 =	sshll.u32 s0, $0x4  }
0x6: {  	s5 =	smul.u32 $0xC00, s0;
	_ =	strace $0x8000004A;
	s0 =	ssub.s32 $0x2, s0  }
0x7: {  	s1 =	sor.u32 s10, s1;
	s28 =	sshrl.u32 s0, $0x1;
	s10 =	smul.u32 $0x3000, s10  }
0x8: {  	s4 =	smul.u32 $0x320, s1;
	s25 =	sadd.s32 s9, s5;
	s0 =	ssub.s32 s0, s28  }
0x9: {  	p0 =	sgt.u32 s1, $0x1C;
	s1 =	simm.s32 $0x2;
	s29 =	sshrl.u32 s10, $0x2  }
0xa: {  	s7 =	sshrl.u32 s4, $0x3;
	s4 =	sshrl.u32 s25, $0x3;
	s25 =	smax.u32 s0, $0x1  }
0xb: {  	s26 =	sadd.s32 s7, s3;
	s24 =	sadd.s32 s4, s3;
	s6 =	sadd.s32 s6, s7  }
0xc: {  	s7 =	sadd.s32 s29, s8;
	s8 =	sadd.s32 s9, s8;
	s3 =	sadd.s32 $0x7C00, s26  }
0xd: {  	s4 =	sadd.s32 $0x8880, s26;
	s5 =	sadd.s32 $0x9500, s26;
	s6 =	sadd.s32 $0x2580, s6  }
0xe: {  	s9 =	sadd.s32 $0xC00, s8;
	s10 =	sadd.s32 $0x1800, s8;
	s11 =	sadd.s32 $0x2400, s8  }
0xf: {  	s12 =	sadd.s32 $0x3000, s8;
	s13 =	sadd.s32 $0x3C00, s8;
	s14 =	sadd.s32 $0x4800, s8  }
0x10: {  	s15 =	sadd.s32 $0x5400, s8;
	s16 =	sadd.s32 $0x6000, s8;
	s17 =	sadd.s32 $0x6C00, s8  }
0x11: {  	s18 =	sadd.s32 $0x7800, s8;
	s19 =	sadd.s32 $0x8400, s8;
	s20 =	sadd.s32 $0x9000, s8  }
0x12: {  	s21 =	sadd.s32 $0x9C00, s8;
	s22 =	sadd.s32 $0xA800, s8;
	s23 =	sadd.s32 $0xB400, s8  }
0x13: {  	v0 =	vimm.f32 $0.0e+00;
	v1 =	vimm.s32 $0x0;
	s24 =	sadd.s32 $0xA200, s24;
	[dreg:$0x4] =	wrdreg s6;
	s6 =	simm.s32 $0x0  }
.LBB2_1:
0x14: {  	[tilespmem:s2], [sflag:$0x1] =	stream.linear.gather [hbm4b:s3+s2], $0x320, $0x38;
	[tilespmem:$0x3200] =	vst v63  }
.Ltmp0:
0x15: {  	_ = 	snop;
	(pc) =	sbr.rel @p0 .LBB2_3-.Ltmp0, $4  }
0x16: {  	s0 =	simm.s32 $0x320  }
0x17: {  	[tilespmem:s0], [sflag:$0x1] =	stream.linear.gather [hbm4b:s4+s2], $0x320, $0x38;
	[tilespmem:$0x3200] =	vst v63  }
0x18: {  	s29 =	simm.s32 $0x640  }
0x19: {  	[tilespmem:s29], [sflag:$0x1] =	stream.linear.gather [hbm4b:s5+s2], $0x320, $0x38;
	[tilespmem:$0x3200] =	vst v63  }
.Ltmp1:
0x1a: {  	s0 =	rddreg [dreg:$0x4];
	s26 =	simm.s32 $0x980;
	(pc) =	sbr.rel .LBB2_6-.Ltmp1, $4  }
0x1b: {  	[tilespmem:s26], [sflag:$0x1] =	stream.linear.gather [hbm4b:s0+s2], $0x320, $0x38;
	[tilespmem:$0x3200] =	vst v63  }
0x1c: {  	_ =	swait.ge [sflag:s30], $0x320  }
0x1d: {  	[sflag:s30] =	ssyncset.done $0x0  }
0x1e: {  	[sflag:s30] =	ssyncadd.s32 $0xFFFFFCE0  }
.LBB2_3:
0x1f: {  	s0 =	simm.s32 $0x40;
	s26 =	simm.s32 $0x0  }
.LBB2_4:
0x20: {  	p1 =	sne.s32 s0, $0xC40;
	[tilespmem:s26+$0x980] =	vst v1;
	s26 =	smov.u32 s0;
	s0 =	sadd.s32 $0x40, s0  }
.Ltmp2:
0x21: {  	(pc) =	sbr.rel @p1 .LBB2_4-.Ltmp2, $2  }
0x22: {  	_ =	sdelay $0x2  }
0x23: {  	s26 =	sshra.s32 s26, $0x2  }
0x24: {  	[tilespmem:s26+$0x980] =	vst v1  }
.LBB2_6:
0x25: {  	_ =	swait.ge [sflag:s30], $0x320  }
0x26: {  	[sflag:s30] =	ssyncset.done $0x0  }
0x27: {  	[sflag:s30] =	ssyncadd.s32 $0xFFFFFCE0  }
0x28: {  	_ =	swait.ge [sflag:s30], $0x320  }
0x29: {  	[sflag:s30] =	ssyncset.done $0x0  }
0x2a: {  	[sflag:s30] =	ssyncadd.s32 $0xFFFFFCE0  }
0x2b: {  	_ =	swait.ge [sflag:s30], $0x320  }
0x2c: {  	s26 =	simm.s32 $0x0;
	[sflag:s30] =	ssyncset.done $0x0  }
0x2d: {  	s0 =	simm.s32 $0x40;
	s28 =	simm.s32 $0x0;
	[sflag:s30] =	ssyncadd.s32 $0xFFFFFCE0  }
.LBB2_7:
0x2e: {  	p1 =	sne.s32 s0, $0x2FC0;
	[tilespmem:s28+$0xD00] =	vst v0;
	s28 =	smov.u32 s0;
	s0 =	sadd.s32 $0x40, s0  }
.Ltmp3:
0x2f: {  	(pc) =	sbr.rel @p1 .LBB2_7-.Ltmp3, $2  }
0x30: {  	_ =	sdelay $0x2  }
0x31: {  	s28 =	sshra.s32 s28, $0x2  }
0x32: {  	[tilespmem:s28+$0xD00] =	vst v0  }
.LBB2_9:
0x33: {  	s0 =	sshra.s32 s26, $0x2  }
0x34: {  	v2 =	vld [tilespmem:s0+$0x980];
	_ =	sdelay $0x4  }
0x35: {  	v2 =	vmul.u32 $0x3, v2  }
0x36: {  	v3 =	vld [tilespmem:s0+$0x0];
	_ =	sdelay $0x4  }
0x37: {  	[tilespmem:v2+s31+$0x0] =	vst.idx.add.f32.msk $0xffff, v3  }
0x38: {  	v2 =	vld [tilespmem:s0+$0x990];
	_ =	sdelay $0x4  }
0x39: {  	v2 =	vmul.u32 $0x3, v2  }
0x3a: {  	p1 =	sne.s32 s26, $0xC00;
	v3 =	vld [tilespmem:s0+$0x10]  }
.Ltmp4:
0x3b: {  	_ = 	snop;
	(pc) =	sbr.rel @p1 .LBB2_9-.Ltmp4, $2  }
0x3c: {  	_ =	sdelay $0x2  }
0x3d: {  	s26 =	sadd.s32 $0x80, s26;
	s0 =	simm.s32 $0x0;
	[tilespmem:v2+s31+$0x0] =	vst.idx.add.f32.msk $0xffff, v3  }
0x3e: {  	s26 =	simm.s32 $0x0  }
.LBB2_11:
0x3f: {  	s28 =	sshra.s32 s26, $0x2  }
0x40: {  	v2 =	vld [tilespmem:s28+$0x980];
	_ =	sdelay $0x4  }
0x41: {  	v2 =	vmul.u32 $0x3, v2;
	_ =	sdelay $0x1  }
0x42: {  	v3 =	vld [tilespmem:s28+$0x320];
	v2 =	vadd.s32 $0x1, v2;
	_ =	sdelay $0x4  }
0x43: {  	[tilespmem:v2+s31+$0x0] =	vst.idx.add.f32.msk $0xffff, v3  }
0x44: {  	v2 =	vld [tilespmem:s28+$0x990];
	_ =	sdelay $0x4  }
0x45: {  	v2 =	vmul.u32 $0x3, v2;
	_ =	sdelay $0x1  }
0x46: {  	p1 =	sne.s32 s26, $0xC00;
	v3 =	vld [tilespmem:s28+$0x330];
	v2 =	vadd.s32 $0x1, v2  }
.Ltmp5:
0x47: {  	_ = 	snop;
	(pc) =	sbr.rel @p1 .LBB2_11-.Ltmp5, $2  }
0x48: {  	_ =	sdelay $0x2  }
0x49: {  	s26 =	sadd.s32 $0x80, s26;
	[tilespmem:v2+s31+$0x0] =	vst.idx.add.f32.msk $0xffff, v3  }
.LBB2_12:
0x4a: {  	s26 =	sshra.s32 s0, $0x2  }
0x4b: {  	v2 =	vld [tilespmem:s26+$0x980];
	_ =	sdelay $0x4  }
0x4c: {  	v2 =	vmul.u32 $0x3, v2;
	_ =	sdelay $0x1  }
0x4d: {  	v3 =	vld [tilespmem:s26+$0x640];
	v2 =	vadd.s32 $0x2, v2;
	_ =	sdelay $0x4  }
0x4e: {  	[tilespmem:v2+s31+$0x0] =	vst.idx.add.f32.msk $0xffff, v3  }
0x4f: {  	v2 =	vld [tilespmem:s26+$0x990];
	_ =	sdelay $0x4  }
0x50: {  	v2 =	vmul.u32 $0x3, v2;
	_ =	sdelay $0x1  }
0x51: {  	p1 =	sne.s32 s0, $0xC00;
	v3 =	vld [tilespmem:s26+$0x650];
	v2 =	vadd.s32 $0x2, v2  }
.Ltmp6:
0x52: {  	_ = 	snop;
	(pc) =	sbr.rel @p1 .LBB2_12-.Ltmp6, $2  }
0x53: {  	_ =	sdelay $0x2  }
0x54: {  	s0 =	sadd.s32 $0x80, s0;
	[tilespmem:v2+s31+$0x0] =	vst.idx.add.f32.msk $0xffff, v3  }
0x55: {  	[spmem:s7] =	stream.linear.scatter [tilespmem:s31], [sflag:$0x2], $0xC00, $0x38;
	[tilespmem:$0x3200] =	vst v63  }
0x56: {  	_ =	swait.ge [sflag:s1], $0xC00  }
0x57: {  	[sflag:s1] =	ssyncset.done $0x0  }
0x58: {  	[sflag:s1] =	ssyncadd.s32 $0xFFFFF400  }
0x59: {  	s0 =	simm.s32 $0x1A00;
	[bflag:$0x0] =	sbarrier.arrive $0xFFFF  }
0x5a: {  	[tilespmem:s0], [sflag:$0x1] =	stream.linear.gather [spmem:s8], $0xC0, $0x38;
	[tilespmem:$0x3200] =	vst v63  }
0x5b: {  	s26 =	simm.s32 $0x1AC0  }
0x5c: {  	[tilespmem:s26], [sflag:$0x1] =	stream.linear.gather [spmem:s9], $0xC0, $0x38;
	[tilespmem:$0x3200] =	vst v63  }
0x5d: {  	s26 =	simm.s32 $0x1B80  }
0x5e: {  	[tilespmem:s26], [sflag:$0x1] =	stream.linear.gather [spmem:s10], $0xC0, $0x38;
	[tilespmem:$0x3200] =	vst v63  }
0x5f: {  	s26 =	simm.s32 $0x1C40  }
0x60: {  	[tilespmem:s26], [sflag:$0x1] =	stream.linear.gather [spmem:s11], $0xC0, $0x38;
	[tilespmem:$0x3200] =	vst v63  }
0x61: {  	s26 =	simm.s32 $0x1D00  }
0x62: {  	[tilespmem:s26], [sflag:$0x1] =	stream.linear.gather [spmem:s12], $0xC0, $0x38;
	[tilespmem:$0x3200] =	vst v63  }
0x63: {  	s26 =	simm.s32 $0x1DC0  }
0x64: {  	[tilespmem:s26], [sflag:$0x1] =	stream.linear.gather [spmem:s13], $0xC0, $0x38;
	[tilespmem:$0x3200] =	vst v63  }
0x65: {  	s26 =	simm.s32 $0x1E80  }
0x66: {  	[tilespmem:s26], [sflag:$0x1] =	stream.linear.gather [spmem:s14], $0xC0, $0x38;
	[tilespmem:$0x3200] =	vst v63  }
0x67: {  	s26 =	simm.s32 $0x1F40  }
0x68: {  	[tilespmem:s26], [sflag:$0x1] =	stream.linear.gather [spmem:s15], $0xC0, $0x38;
	[tilespmem:$0x3200] =	vst v63  }
0x69: {  	s26 =	simm.s32 $0x2000  }
0x6a: {  	[tilespmem:s26], [sflag:$0x1] =	stream.linear.gather [spmem:s16], $0xC0, $0x38;
	[tilespmem:$0x3200] =	vst v63  }
0x6b: {  	s26 =	simm.s32 $0x20C0  }
0x6c: {  	[tilespmem:s26], [sflag:$0x1] =	stream.linear.gather [spmem:s17], $0xC0, $0x38;
	[tilespmem:$0x3200] =	vst v63  }
0x6d: {  	s26 =	simm.s32 $0x2180  }
0x6e: {  	[tilespmem:s26], [sflag:$0x1] =	stream.linear.gather [spmem:s18], $0xC0, $0x38;
	[tilespmem:$0x3200] =	vst v63  }
0x6f: {  	s26 =	simm.s32 $0x2240  }
0x70: {  	[tilespmem:s26], [sflag:$0x1] =	stream.linear.gather [spmem:s19], $0xC0, $0x38;
	[tilespmem:$0x3200] =	vst v63  }
0x71: {  	s26 =	simm.s32 $0x2300  }
0x72: {  	[tilespmem:s26], [sflag:$0x1] =	stream.linear.gather [spmem:s20], $0xC0, $0x38;
	[tilespmem:$0x3200] =	vst v63  }
0x73: {  	s26 =	simm.s32 $0x23C0  }
0x74: {  	[tilespmem:s26], [sflag:$0x1] =	stream.linear.gather [spmem:s21], $0xC0, $0x38;
	[tilespmem:$0x3200] =	vst v63  }
0x75: {  	s26 =	simm.s32 $0x2480  }
0x76: {  	[tilespmem:s26], [sflag:$0x1] =	stream.linear.gather [spmem:s22], $0xC0, $0x38;
	[tilespmem:$0x3200] =	vst v63  }
0x77: {  	s26 =	simm.s32 $0x2540  }
0x78: {  	[tilespmem:s26], [sflag:$0x1] =	stream.linear.gather [spmem:s23], $0xC0, $0x38;
	[tilespmem:$0x3200] =	vst v63  }
0x79: {  	_ =	swait.ge [sflag:s30], $0xC0  }
0x7a: {  	[sflag:s30] =	ssyncset.done $0x0  }
0x7b: {  	[sflag:s30] =	ssyncadd.s32 $0xFFFFFF40  }
0x7c: {  	_ =	swait.ge [sflag:s30], $0xC0  }
0x7d: {  	[sflag:s30] =	ssyncset.done $0x0  }
0x7e: {  	[sflag:s30] =	ssyncadd.s32 $0xFFFFFF40  }
0x7f: {  	_ =	swait.ge [sflag:s30], $0xC0  }
0x80: {  	[sflag:s30] =	ssyncset.done $0x0  }
0x81: {  	[sflag:s30] =	ssyncadd.s32 $0xFFFFFF40  }
0x82: {  	_ =	swait.ge [sflag:s30], $0xC0  }
0x83: {  	[sflag:s30] =	ssyncset.done $0x0  }
0x84: {  	[sflag:s30] =	ssyncadd.s32 $0xFFFFFF40  }
0x85: {  	_ =	swait.ge [sflag:s30], $0xC0  }
0x86: {  	[sflag:s30] =	ssyncset.done $0x0  }
0x87: {  	[sflag:s30] =	ssyncadd.s32 $0xFFFFFF40  }
0x88: {  	_ =	swait.ge [sflag:s30], $0xC0  }
0x89: {  	[sflag:s30] =	ssyncset.done $0x0  }
0x8a: {  	[sflag:s30] =	ssyncadd.s32 $0xFFFFFF40  }
0x8b: {  	_ =	swait.ge [sflag:s30], $0xC0  }
0x8c: {  	[sflag:s30] =	ssyncset.done $0x0  }
0x8d: {  	[sflag:s30] =	ssyncadd.s32 $0xFFFFFF40  }
0x8e: {  	_ =	swait.ge [sflag:s30], $0xC0  }
0x8f: {  	[sflag:s30] =	ssyncset.done $0x0  }
0x90: {  	[sflag:s30] =	ssyncadd.s32 $0xFFFFFF40  }
0x91: {  	_ =	swait.ge [sflag:s30], $0xC0  }
0x92: {  	[sflag:s30] =	ssyncset.done $0x0  }
0x93: {  	[sflag:s30] =	ssyncadd.s32 $0xFFFFFF40  }
0x94: {  	_ =	swait.ge [sflag:s30], $0xC0  }
0x95: {  	[sflag:s30] =	ssyncset.done $0x0  }
0x96: {  	[sflag:s30] =	ssyncadd.s32 $0xFFFFFF40  }
0x97: {  	_ =	swait.ge [sflag:s30], $0xC0  }
0x98: {  	[sflag:s30] =	ssyncset.done $0x0  }
0x99: {  	[sflag:s30] =	ssyncadd.s32 $0xFFFFFF40  }
0x9a: {  	_ =	swait.ge [sflag:s30], $0xC0  }
0x9b: {  	[sflag:s30] =	ssyncset.done $0x0  }
0x9c: {  	[sflag:s30] =	ssyncadd.s32 $0xFFFFFF40  }
0x9d: {  	_ =	swait.ge [sflag:s30], $0xC0  }
0x9e: {  	[sflag:s30] =	ssyncset.done $0x0  }
0x9f: {  	[sflag:s30] =	ssyncadd.s32 $0xFFFFFF40  }
0xa0: {  	_ =	swait.ge [sflag:s30], $0xC0  }
0xa1: {  	[sflag:s30] =	ssyncset.done $0x0  }
0xa2: {  	[sflag:s30] =	ssyncadd.s32 $0xFFFFFF40  }
0xa3: {  	_ =	swait.ge [sflag:s30], $0xC0  }
0xa4: {  	[sflag:s30] =	ssyncset.done $0x0  }
0xa5: {  	[sflag:s30] =	ssyncadd.s32 $0xFFFFFF40  }
0xa6: {  	_ =	swait.ge [sflag:s30], $0xC0  }
0xa7: {  	[sflag:s30] =	ssyncset.done $0x0  }
0xa8: {  	s28 =	simm.s32 $0x0;
	[sflag:s30] =	ssyncadd.s32 $0xFFFFFF40  }
0xa9: {  	v2 =	vld [tilespmem:s28+$0x1A00];
	_ =	sdelay $0x1  }
0xaa: {  	v3 =	vld [tilespmem:s28+$0x1AC0];
	_ =	sdelay $0x1  }
0xab: {  	v4 =	vld [tilespmem:s28+$0x1B80]  }
0xac: {  	v2 =	vadd.f32 $0.0e+00, v2  }
0xad: {  	v5 =	vld [tilespmem:s28+$0x1C40]  }
0xae: {  	v2 =	vadd.f32 v3, v2  }
0xaf: {  	v3 =	vld [tilespmem:s28+$0x1D00]  }
0xb0: {  	v2 =	vadd.f32 v4, v2  }
0xb1: {  	v4 =	vld [tilespmem:s28+$0x1DC0]  }
0xb2: {  	v2 =	vadd.f32 v5, v2  }
0xb3: {  	v5 =	vld [tilespmem:s28+$0x1E80]  }
0xb4: {  	v2 =	vadd.f32 v3, v2  }
0xb5: {  	s26 =	simm.s32 $0x10;
	v3 =	vld [tilespmem:s28+$0x1F40]  }
0xb6: {  	v6 =	vld [tilespmem:s26+$0x1A00];
	v2 =	vadd.f32 v4, v2  }
0xb7: {  	v4 =	vld [tilespmem:s28+$0x2000]  }
0xb8: {  	v7 =	vld [tilespmem:s26+$0x1AC0];
	v2 =	vadd.f32 v5, v2  }
0xb9: {  	v5 =	vld [tilespmem:s28+$0x20C0]  }
0xba: {  	v8 =	vld [tilespmem:s26+$0x1B80];
	v2 =	vadd.f32 v3, v2  }
0xbb: {  	v3 =	vld [tilespmem:s28+$0x2180]  }
0xbc: {  	v9 =	vld [tilespmem:s26+$0x1C40];
	v6 =	vadd.f32 $0.0e+00, v6;
	v2 =	vadd.f32 v4, v2  }
0xbd: {  	v4 =	vld [tilespmem:s28+$0x2240]  }
0xbe: {  	v10 =	vld [tilespmem:s26+$0x1D00];
	v6 =	vadd.f32 v7, v6;
	v2 =	vadd.f32 v5, v2  }
0xbf: {  	v7 =	vld [tilespmem:s28+$0x2300]  }
0xc0: {  	v11 =	vld [tilespmem:s26+$0x1DC0];
	v5 =	vadd.f32 v8, v6;
	v2 =	vadd.f32 v3, v2  }
0xc1: {  	v8 =	vld [tilespmem:s28+$0x23C0]  }
0xc2: {  	v3 =	vadd.f32 v9, v5;
	v5 =	vld [tilespmem:s26+$0x1E80];
	v4 =	vadd.f32 v4, v2  }
0xc3: {  	v2 =	vld [tilespmem:s28+$0x2480]  }
0xc4: {  	v6 =	vld [tilespmem:s26+$0x1F40];
	v9 =	vadd.f32 v10, v3;
	v10 =	vadd.f32 v7, v4  }
0xc5: {  	v3 =	vld [tilespmem:s28+$0x2540]  }
0xc6: {  	s29 =	simm.s32 $0xC0;
	s0 =	simm.s32 $0x20;
	v7 =	vadd.f32 v11, v9;
	v4 =	vld [tilespmem:s26+$0x2000];
	v8 =	vadd.f32 v8, v10  }
.LBB2_14:
0xc7: {  	p1 =	sne.s32 s29, $0x2C0;
	v9 =	vld [tilespmem:s0+$0x1A00]  }
0xc8: {  	v5 =	vadd.f32 v5, v7;
	v7 =	vld [tilespmem:s26+$0x20C0];
	v2 =	vadd.f32 v2, v8  }
0xc9: {  	v8 =	vld [tilespmem:s0+$0x1AC0]  }
0xca: {  	v5 =	vadd.f32 v6, v5;
	v6 =	vld [tilespmem:s26+$0x2180];
	v2 =	vadd.f32 v3, v2  }
0xcb: {  	v3 =	vld [tilespmem:s0+$0x1B80]  }
0xcc: {  	v9 =	vadd.f32 $0.0e+00, v9;
	v4 =	vadd.f32 v4, v5;
	v5 =	vld [tilespmem:s26+$0x2240];
	[tilespmem:s28+$0x1900] =	vst v2;
	s28 =	smov.u32 s26;
	s26 =	smov.u32 s0  }
0xcd: {  	v2 =	vld [tilespmem:s26+$0x1C40]  }
0xce: {  	v8 =	vadd.f32 v8, v9;
	v4 =	vadd.f32 v7, v4;
	v7 =	vld [tilespmem:s28+$0x2300]  }
0xcf: {  	v9 =	vld [tilespmem:s26+$0x1D00]  }
0xd0: {  	v3 =	vadd.f32 v3, v8;
	v4 =	vadd.f32 v6, v4;
	v8 =	vld [tilespmem:s28+$0x23C0]  }
0xd1: {  	v10 =	vld [tilespmem:s26+$0x1DC0]  }
.Ltmp7:
0xd2: {  	v3 =	vadd.f32 v2, v3;
	v4 =	vadd.f32 v5, v4;
	v2 =	vld [tilespmem:s28+$0x2480];
	(pc) =	sbr.rel @p1 .LBB2_14-.Ltmp7, $4  }
0xd3: {  	v5 =	vld [tilespmem:s26+$0x1E80]  }
0xd4: {  	v9 =	vadd.f32 v9, v3;
	v11 =	vadd.f32 v7, v4;
	v3 =	vld [tilespmem:s28+$0x2540]  }
0xd5: {  	v6 =	vld [tilespmem:s26+$0x1F40]  }
0xd6: {  	s0 =	sshra.s32 s29, $0x2;
	s29 =	sadd.s32 $0x40, s29;
	v7 =	vadd.f32 v10, v9;
	v4 =	vld [tilespmem:s26+$0x2000];
	v8 =	vadd.f32 v8, v11  }
0xd7: {  	v9 =	vld [tilespmem:s0+$0x1A00]  }
0xd8: {  	v10 =	vld [tilespmem:s26+$0x20C0];
	v2 =	vadd.f32 v2, v8  }
0xd9: {  	v49 =	vld [tilespmem:s0+$0x1AC0]  }
0xda: {  	v11 =	vld [tilespmem:s26+$0x2180];
	v5 =	vadd.f32 v5, v7;
	v2 =	vadd.f32 v3, v2  }
0xdb: {  	v3 =	vld [tilespmem:s0+$0x1B80]  }
0xdc: {  	v50 =	vld [tilespmem:s26+$0x2240];
	v5 =	vadd.f32 v6, v5;
	v51 =	vadd.f32 $0.0e+00, v9;
	[tilespmem:s28+$0x1900] =	vst v2  }
0xdd: {  	v2 =	vld [tilespmem:s0+$0x1C40]  }
0xde: {  	v4 =	vadd.f32 v4, v5;
	v52 =	vadd.f32 v49, v51  }
0xdf: {  	v53 =	vld [tilespmem:s0+$0x1D00]  }
0xe0: {  	v54 =	vld [tilespmem:s26+$0x2300];
	v4 =	vadd.f32 v10, v4;
	v3 =	vadd.f32 v3, v52  }
0xe1: {  	v55 =	vld [tilespmem:s0+$0x1DC0]  }
0xe2: {  	v56 =	vld [tilespmem:s26+$0x23C0];
	v4 =	vadd.f32 v11, v4;
	v2 =	vadd.f32 v2, v3  }
0xe3: {  	v3 =	vld [tilespmem:s0+$0x1E80]  }
0xe4: {  	v57 =	vld [tilespmem:s26+$0x2480];
	v4 =	vadd.f32 v50, v4;
	v2 =	vadd.f32 v53, v2  }
0xe5: {  	v58 =	vld [tilespmem:s0+$0x1F40]  }
0xe6: {  	v59 =	vld [tilespmem:s26+$0x2540];
	v4 =	vadd.f32 v54, v4;
	v2 =	vadd.f32 v55, v2  }
0xe7: {  	v60 =	vld [tilespmem:s0+$0x2000]  }
0xe8: {  	v4 =	vadd.f32 v56, v4;
	v2 =	vadd.f32 v3, v2  }
0xe9: {  	v3 =	vld [tilespmem:s0+$0x20C0]  }
0xea: {  	v4 =	vadd.f32 v57, v4;
	v2 =	vadd.f32 v58, v2  }
0xeb: {  	v61 =	vld [tilespmem:s0+$0x2180]  }
0xec: {  	v4 =	vadd.f32 v59, v4;
	v2 =	vadd.f32 v60, v2  }
0xed: {  	v62 =	vld [tilespmem:s0+$0x2240]  }
0xee: {  	[tilespmem:s26+$0x1900] =	vst v4;
	v2 =	vadd.f32 v3, v2  }
0xef: {  	v3 =	vld [tilespmem:s0+$0x2300]  }
0xf0: {  	v2 =	vadd.f32 v61, v2  }
0xf1: {  	v4 =	vld [tilespmem:s0+$0x23C0]  }
0xf2: {  	v2 =	vadd.f32 v62, v2  }
0xf3: {  	v63 =	vld [tilespmem:s0+$0x2480]  }
0xf4: {  	v2 =	vadd.f32 v3, v2  }
0xf5: {  	v3 =	vld [tilespmem:s0+$0x2540]  }
0xf6: {  	v2 =	vadd.f32 v4, v2;
	_ =	sdelay $0x1  }
0xf7: {  	v2 =	vadd.f32 v63, v2;
	_ =	sdelay $0x1  }
0xf8: {  	s6 =	sadd.s32 $0x1, s6;
	v2 =	vadd.f32 v3, v2  }
0xf9: {  	p1 =	sne.s32 s6, s25  }
.Ltmp8:
0xfa: {  	s29 =	simm.s32 $0x1900;
	[tilespmem:s0+$0x1900] =	vst v2;
	(pc) =	sbr.rel @p1 .LBB2_1-.Ltmp8, $4  }
0xfb: {  	[hbm4b:s24+s2] =	stream.linear.scatter [tilespmem:s29], [sflag:$0x2], $0xC0, $0x38;
	[tilespmem:$0x3200] =	vst v63  }
0xfc: {  	_ =	swait.ge [sflag:s1], $0xC0  }
0xfd: {  	[sflag:s1] =	ssyncset.done $0x0  }
0xfe: {  	[sflag:s1] =	ssyncadd.s32 $0xFFFFFF40  }
0xff: {  	_ =	sfence.sel $0x180000  }
0x100: {  	[bflag:$0x0] =	sbarrier.arrive $0xFFFF  }
0x101: {  	_ =	strace $0x9000004A  }
0x102: {  	s0 =	stileid.u32;
	[bflag:$0x2] =	sbarrier.arrive $0xFFFF  }
0x103: {  	p0 =	sne.s32 s0, $0x0;
	s0 =	rddreg [dreg:$0x3]  }
0x104: {  	s0 =	sadd.s32 @!p0 $0x100000, s0  }
0x105: {  	[sflag:s0] =	ssyncadd.tile.s32 @!p0 $0x1;
	_ =	shalt  }
.Lfunc_end2:
_tile_overlayer_lowered:
.L_overlay_start_2:
0x106: {  	(tag) =	ssettag $0x2  }
0x107: {  	s0 =	rddreg [dreg:$0x0];
	s2 =	stileid.u32  }
0x108: {  	s1 =	rddreg [dreg:$0x1];
	p0 =	sne.s32 s2, $0x0  }
0x109: {  	s3 =	rddreg [dreg:$0x2];
	[bflag:$0x3] =	sbarrier.arrive $0xFFFF;
	s2 =	simm.s32 @!p0 $0x1C02  }
0x10a: {  	[timem:s3], [sflag:s2] =	dma.local @!p0 [hbm:s0], s1  }
0x10b: {  	s0 =	simm.s32 @!p0 $0x2  }
0x10c: {  	_ =	swait.ge @!p0 [sflag:s0], s1  }
0x10d: {  	s1 =	ssub.s32 @!p0 $0x0, s1;
	[sflag:s0] =	ssyncset.done @!p0 $0x0  }
0x10e: {  	[sflag:s0] =	ssyncadd.s32 @!p0 s1  }
0x10f: {  	[bflag:$0x3] =	sbarrier.arrive $0xFFFF  }
0x110: {  	_ =	shalt  }

</sc_bundles>
